<compile_context>
chip_gen: v7x
topology: tpu7x:2x2x1
jax: 0.10.2.dev20260603
libtpu: 0.0.44.dev20260713+nightly
codegen_flags: <defaults>
</compile_context>

<pallas_src>
import functools

import jax
import jax.numpy as jnp
from jax import lax
from jax.experimental import pallas as pl
from jax.experimental.pallas import tpu as pltpu
from jax.experimental.pallas import tpu_sc as plsc

D = 32
L = 200
B = 4096
V = 1000000
NC, NS = 2, 16
NW = NC * NS
GB = B // NW

_mesh = plsc.VectorSubcoreMesh(core_axis_name="c", subcore_axis_name="s")


@functools.partial(
    pl.kernel,
    out_type=jax.ShapeDtypeStruct((L, D // 8, NW, 8, GB), jnp.float32),
    mesh=_mesh,
    scratch_types=[
        pltpu.VMEM((L // 8, 1, 8, GB), jnp.int32),
        pltpu.VMEM((L, D), jnp.float32),
        pltpu.VMEM((GB, D), jnp.float32),
        pltpu.VMEM((GB, D), jnp.float32),
        pltpu.VMEM((D, GB), jnp.float32),
        pltpu.VMEM((D, GB), jnp.float32),
        pltpu.SemaphoreType.DMA,
        pltpu.SemaphoreType.DMA,
        pltpu.SemaphoreType.DMA,
        pltpu.SemaphoreType.DMA,
    ],
    compiler_params=pltpu.CompilerParams(
        use_tc_tiling_on_sc=False, needs_layout_passes=False
    ),
)
def _emb_lookup(ids_hbm, tok_hbm, pos_hbm, out_hbm, idx_v, pos_v,
                rows0, rows1, tb0, tb1, sg0, sg1, so0, so1):
    w = lax.axis_index("s") * NC + lax.axis_index("c")
    rows = (rows0, rows1)
    tbuf = (tb0, tb1)
    sg = (sg0, sg1)
    so = (so0, so1)
    iota = lax.iota(jnp.int32, 16)

    pltpu.sync_copy(ids_hbm.at[:, pl.ds(w, 1)], idx_v)
    pltpu.sync_copy(pos_hbm, pos_v)

    def _gather(l, par):
        pltpu.async_copy(
            tok_hbm.at[idx_v.at[l // 8, 0, l % 8]], rows[par], sg[par]
        )

    def _gather_wait(l, par):
        pltpu.make_async_copy(
            tok_hbm.at[idx_v.at[l // 8, 0, l % 8]], rows[par], sg[par]
        ).wait()

    def _store(l, par):
        for ti in range(D // 8):
            pltpu.async_copy(
                tbuf[par].at[pl.ds(ti * 8, 8)],
                out_hbm.at[l, ti, w],
                so[par],
            )

    def _store_wait(l, par):
        for ti in range(D // 8):
            pltpu.make_async_copy(
                tbuf[par].at[pl.ds(ti * 8, 8)],
                out_hbm.at[l, ti, w],
                so[par],
            ).wait()

    _gather(0, 0)

    def body(t, carry):
        for par in range(2):
            l = t * 2 + par
            nxt = l + 1
            if par == 0:
                _gather(nxt, 1)
            else:
                pl.when(t < L // 2 - 1)(lambda: _gather(nxt, 0))
            pl.when(t > 0)(lambda: _store_wait(l, par))
            _gather_wait(l, par)

            def group(g, carry2):
                c0 = g * 16
                plo = pos_v[l, pl.ds(0, 16)]
                phi = pos_v[l, pl.ds(16, 16)]
                for u in range(16):
                    c = c0 + u
                    cv = jnp.full((16,), 0, jnp.int32) + c
                    lo = rows[par][c, pl.ds(0, 16)] + plo
                    hi = rows[par][c, pl.ds(16, 16)] + phi
                    plsc.store_scatter(tbuf[par], [iota, cv], lo)
                    plsc.store_scatter(tbuf[par], [iota + 16, cv], hi)
                return carry2

            lax.fori_loop(0, GB // 16, group, 0)
            _store(l, par)
        return carry

    lax.fori_loop(0, L // 2, body, 0)
    _store_wait(L - 2, 0)
    _store_wait(L - 1, 1)


def kernel(input_ids, token_table, position_table):
    ids_p = (
        input_ids.astype(jnp.int32)
        .reshape(NW, GB, L // 8, 8)
        .transpose(2, 0, 3, 1)
    )
    out_p = _emb_lookup(ids_p, token_table, position_table)
    return out_p.transpose(2, 4, 0, 1, 3).reshape(B, L, D)

# --- scband reference (transcript-rebuilt; emitter-appended) ---
"""Pipeline reference for scband-embeddings-42245298324180 (READ-ONLY COPY).

The authoritative reference and input builder live on the scoring server;
editing this copy changes nothing except your own understanding.
"""

import jax, jax.numpy as jnp
import numpy as np

VOCAB_SIZE = 1000000
EMBED_DIM = 32
MAX_LEN = 200
BATCH = 4096
SEQ_LEN = 200


def setup_inputs(seed: int = 0) -> dict:
    key = jax.random.key(seed)
    k1, k2, k3 = jax.random.split(key, 3)
    input_ids = jax.random.randint(k1, (BATCH, SEQ_LEN), 0, VOCAB_SIZE, dtype=jnp.int64 if jax.config.jax_enable_x64 else jnp.int32)
    token_table = jax.random.normal(k2, (VOCAB_SIZE, EMBED_DIM), dtype=jnp.float32) * 0.05
    position_table = jax.random.normal(k3, (MAX_LEN, EMBED_DIM), dtype=jnp.float32) * 0.05
    return {"input_ids": input_ids, "token_table": token_table, "position_table": position_table}


def reference(input_ids, token_table, position_table):
    length = input_ids.shape[-1]
    position_ids = jnp.arange(0, length)[None, :]  # [1, L]
    token_embeddings = jnp.take(token_table, input_ids, axis=0)       # [B, L, D]
    position_embeddings = jnp.take(position_table, position_ids, axis=0)  # [1, L, D]
    return token_embeddings + position_embeddings

if __name__ == "__main__":
    import jax
    _d = setup_inputs()
    print(jax.jit(kernel)(*tuple(_d.values())))

</pallas_src>

<mosaic_0001>
#map = affine_map<(d0, d1) -> (0, 0, 0, 0)>
#map1 = affine_map<(d0, d1) -> (0, 0)>
#map2 = affine_map<(d0, d1) -> (0, 0, 0, 0, 0)>
module attributes {stable_mosaic.version = 14 : i64} {
  func.func @_emb_lookup(%arg0: i32, %arg1: i32, %arg2: memref<25x32x8x128xi32, #tpu.memory_space<hbm>>, %arg3: memref<1000000x32xf32, #tpu.memory_space<hbm>>, %arg4: memref<200x32xf32, #tpu.memory_space<hbm>>, %arg5: memref<200x4x32x8x128xf32, #tpu.memory_space<hbm>>, %arg6: memref<25x1x8x128xi32, #tpu.memory_space<vmem>>, %arg7: memref<200x32xf32, #tpu.memory_space<vmem>>, %arg8: memref<128x32xf32, #tpu.memory_space<vmem>>, %arg9: memref<128x32xf32, #tpu.memory_space<vmem>>, %arg10: memref<32x128xf32, #tpu.memory_space<vmem>>, %arg11: memref<32x128xf32, #tpu.memory_space<vmem>>, %arg12: memref<!tpu.dma_semaphore, #tpu.memory_space<semaphore_mem>>, %arg13: memref<!tpu.dma_semaphore, #tpu.memory_space<semaphore_mem>>, %arg14: memref<!tpu.dma_semaphore, #tpu.memory_space<semaphore_mem>>, %arg15: memref<!tpu.dma_semaphore, #tpu.memory_space<semaphore_mem>>) attributes {dimension_semantics = [#tpu.dimension_semantics<core_parallel>, #tpu.dimension_semantics<subcore_parallel>], iteration_bounds = array<i64: 2, 16>, scalar_prefetch = 0 : i64, scratch_operands = 10 : i64, tpu.core_type = #tpu.core_type<sc_vector_subcore>, window_params = [{transform_indices = #map}, {transform_indices = #map1}, {transform_indices = #map1}, {transform_indices = #map2}]} {
    %mul3A = arith.constant 2 : i32
    %mul3A_0 = arith.muli %arg1, %mul3A : i32
    %add3A = arith.addi %mul3A_0, %arg0 : i32
    %iota3A = tpu.iota {dimensions = array<i32: 0>} : vector<16xi32>
    "tpu.region"() ({
      %run_scoped3A = tpu.sem_alloc : memref<!tpu.dma_semaphore, #tpu.memory_space<semaphore_mem>>
      %dma_start3A_141 = arith.constant 0 : i32
      %dma_start3A_142 = arith.constant 0 : i32
      %dma_start3A_143 = arith.constant 0 : i32
      %dma_start3A_144 = tpu.memref_slice %arg2[%dma_start3A_141, %add3A, %dma_start3A_142, %dma_start3A_143] : memref<25x32x8x128xi32, #tpu.memory_space<hbm>> -> memref<25x1x8x128xi32, #tpu.memory_space<hbm>>
      %dma_start3A_145 = arith.constant 0 : i32
      %dma_start3A_146 = arith.constant 0 : i32
      %dma_start3A_147 = arith.constant 0 : i32
      %dma_start3A_148 = tpu.memref_slice %arg2[%dma_start3A_145, %add3A, %dma_start3A_146, %dma_start3A_147] : memref<25x32x8x128xi32, #tpu.memory_space<hbm>> -> memref<25x1x8x128xi32, #tpu.memory_space<hbm>>
      tpu.enqueue_dma source(%dma_start3A_148 : memref<25x1x8x128xi32, #tpu.memory_space<hbm>>) target(%arg6 : memref<25x1x8x128xi32, #tpu.memory_space<vmem>>) target_semaphore(%run_scoped3A : memref<!tpu.dma_semaphore, #tpu.memory_space<semaphore_mem>>)
      %dma_wait3A_149 = arith.constant 0 : i32
      %dma_wait3A_150 = arith.constant 0 : i32
      %dma_wait3A_151 = arith.constant 0 : i32
      %dma_wait3A_152 = tpu.memref_slice %arg2[%dma_wait3A_149, %add3A, %dma_wait3A_150, %dma_wait3A_151] : memref<25x32x8x128xi32, #tpu.memory_space<hbm>> -> memref<25x1x8x128xi32, #tpu.memory_space<hbm>>
      %dma_wait3A_153 = arith.constant 0 : i32
      %dma_wait3A_154 = arith.constant 0 : i32
      %dma_wait3A_155 = arith.constant 0 : i32
      %dma_wait3A_156 = tpu.memref_slice %arg2[%dma_wait3A_153, %add3A, %dma_wait3A_154, %dma_wait3A_155] : memref<25x32x8x128xi32, #tpu.memory_space<hbm>> -> memref<25x1x8x128xi32, #tpu.memory_space<hbm>>
      tpu.wait_dma2 semaphore(%run_scoped3A : memref<!tpu.dma_semaphore, #tpu.memory_space<semaphore_mem>>) src(%dma_wait3A_156 : memref<25x1x8x128xi32, #tpu.memory_space<hbm>>) dst(%arg6 : memref<25x1x8x128xi32, #tpu.memory_space<vmem>>)
      tpu.yield
    }) : () -> ()
    "tpu.region"() ({
      %run_scoped3A = tpu.sem_alloc : memref<!tpu.dma_semaphore, #tpu.memory_space<semaphore_mem>>
      tpu.enqueue_dma source(%arg4 : memref<200x32xf32, #tpu.memory_space<hbm>>) target(%arg7 : memref<200x32xf32, #tpu.memory_space<vmem>>) target_semaphore(%run_scoped3A : memref<!tpu.dma_semaphore, #tpu.memory_space<semaphore_mem>>)
      tpu.wait_dma2 semaphore(%run_scoped3A : memref<!tpu.dma_semaphore, #tpu.memory_space<semaphore_mem>>) src(%arg4 : memref<200x32xf32, #tpu.memory_space<hbm>>) dst(%arg7 : memref<200x32xf32, #tpu.memory_space<vmem>>)
      tpu.yield
    }) : () -> ()
    %dma_start3A = arith.constant 0 : i32
    %dma_start3A_1 = arith.constant 0 : i32
    %dma_start3A_2 = arith.constant 0 : i32
    %dma_start3A_3 = arith.constant 0 : i32
    %dma_start3A_4 = tpu.memref_slice %arg6[%dma_start3A, %dma_start3A_1, %dma_start3A_2, %dma_start3A_3] : memref<25x1x8x128xi32, #tpu.memory_space<vmem>> -> memref<1x1x1x128xi32, #tpu.memory_space<vmem>>
    %dma_start3A_5 = tpu.memref_squeeze %dma_start3A_4 : memref<1x1x1x128xi32, #tpu.memory_space<vmem>> -> memref<128xi32, #tpu.memory_space<vmem>>
    %dma_start3A_6 = arith.constant 0 : i32
    %dma_start3A_7 = arith.constant 0 : i32
    %dma_start3A_8 = tpu.memref_slice %arg3[%dma_start3A_6, %dma_start3A_7] : memref<1000000x32xf32, #tpu.memory_space<hbm>> -> memref<1000000x32xf32, #tpu.memory_space<hbm>>
    tpu.enqueue_indirect_dma source(%dma_start3A_8 : memref<1000000x32xf32, #tpu.memory_space<hbm>>) target(%arg8 : memref<128x32xf32, #tpu.memory_space<vmem>>) offsets(%dma_start3A_5 : memref<128xi32, #tpu.memory_space<vmem>>) semaphore(%arg12 : memref<!tpu.dma_semaphore, #tpu.memory_space<semaphore_mem>>)
    %scan3A = arith.constant 0 : i32
    %scan3A_9 = arith.constant 0 : i32
    %scan3A_10 = arith.constant 100 : i32
    %scan3A_11 = arith.addi %scan3A_9, %scan3A_10 : i32
    %scan3A_12 = arith.constant 1 : i32
    scf.for %scan3A_141 = %scan3A_9 to %scan3A_11 step %scan3A_12  : i32 {
      %mul3A_142 = arith.constant 2 : i32
      %mul3A_143 = arith.muli %scan3A_141, %mul3A_142 : i32
      %add3A_144 = arith.constant 0 : i32
      %add3A_145 = arith.addi %mul3A_143, %add3A_144 : i32
      %add3A_146 = arith.constant 1 : i32
      %add3A_147 = arith.addi %add3A_145, %add3A_146 : i32
      %jit3A = arith.constant 8 : i32
      %div3A = arith.divsi %add3A_147, %jit3A : i32
      %sign3A = arith.constant 0 : i32
      %sign3A_148 = arith.cmpi sgt, %add3A_147, %sign3A : i32
      %sign3A_149 = arith.extui %sign3A_148 : i1 to i32
      %sign3A_150 = arith.constant 0 : i32
      %sign3A_151 = arith.cmpi slt, %add3A_147, %sign3A_150 : i32
      %sign3A_152 = arith.extui %sign3A_151 : i1 to i32
      %sign3A_153 = arith.subi %sign3A_149, %sign3A_152 : i32
      %sign3A_154 = arith.constant 0 : i32
      %sign3A_155 = arith.cmpi sgt, %jit3A, %sign3A_154 : i32
      %sign3A_156 = arith.extui %sign3A_155 : i1 to i32
      %sign3A_157 = arith.constant 0 : i32
      %sign3A_158 = arith.cmpi slt, %jit3A, %sign3A_157 : i32
      %sign3A_159 = arith.extui %sign3A_158 : i1 to i32
      %sign3A_160 = arith.subi %sign3A_156, %sign3A_159 : i32
      %ne3A = arith.cmpi ne, %sign3A_153, %sign3A_160 : i32
      %rem3A = arith.remsi %add3A_147, %jit3A : i32
      %ne3A_161 = arith.constant 0 : i32
      %ne3A_162 = arith.cmpi ne, %rem3A, %ne3A_161 : i32
      %and3A = arith.andi %ne3A, %ne3A_162 : i1
      %sub3A = arith.constant 1 : i32
      %sub3A_163 = arith.subi %div3A, %sub3A : i32
      %select_n3A = arith.select %and3A, %sub3A_163, %div3A : i32
      %jit3A_164 = arith.constant 8 : i32
      %eq3A = arith.constant 0 : i32
      %eq3A_165 = arith.cmpi eq, %jit3A_164, %eq3A : i32
      %jit3A_166 = arith.constant 1 : i32
      %select_n3A_167 = arith.select %eq3A_165, %jit3A_166, %jit3A_164 : i32
      %rem3A_168 = arith.remsi %add3A_147, %select_n3A_167 : i32
      %ne3A_169 = arith.constant 0 : i32
      %ne3A_170 = arith.cmpi ne, %rem3A_168, %ne3A_169 : i32
      %lt3A = arith.constant 0 : i32
      %lt3A_171 = arith.cmpi slt, %rem3A_168, %lt3A : i32
      %lt3A_172 = arith.constant 0 : i32
      %lt3A_173 = arith.cmpi slt, %select_n3A_167, %lt3A_172 : i32
      %ne3A_174 = arith.xori %lt3A_171, %lt3A_173 : i1
      %and3A_175 = arith.andi %ne3A_174, %ne3A_170 : i1
      %add3A_176 = arith.addi %rem3A_168, %select_n3A_167 : i32
      %select_n3A_177 = arith.select %and3A_175, %add3A_176, %rem3A_168 : i32
      %dma_start3A_178 = arith.constant 0 : i32
      %dma_start3A_179 = arith.constant 0 : i32
      %dma_start3A_180 = tpu.memref_slice %arg6[%select_n3A, %dma_start3A_178, %select_n3A_177, %dma_start3A_179] : memref<25x1x8x128xi32, #tpu.memory_space<vmem>> -> memref<1x1x1x128xi32, #tpu.memory_space<vmem>>
      %dma_start3A_181 = tpu.memref_squeeze %dma_start3A_180 : memref<1x1x1x128xi32, #tpu.memory_space<vmem>> -> memref<128xi32, #tpu.memory_space<vmem>>
      %dma_start3A_182 = arith.constant 0 : i32
      %dma_start3A_183 = arith.constant 0 : i32
      %dma_start3A_184 = tpu.memref_slice %arg3[%dma_start3A_182, %dma_start3A_183] : memref<1000000x32xf32, #tpu.memory_space<hbm>> -> memref<1000000x32xf32, #tpu.memory_space<hbm>>
      tpu.enqueue_indirect_dma source(%dma_start3A_184 : memref<1000000x32xf32, #tpu.memory_space<hbm>>) target(%arg9 : memref<128x32xf32, #tpu.memory_space<vmem>>) offsets(%dma_start3A_181 : memref<128xi32, #tpu.memory_space<vmem>>) semaphore(%arg13 : memref<!tpu.dma_semaphore, #tpu.memory_space<semaphore_mem>>)
      %gt3A = arith.constant 0 : i32
      %gt3A_185 = arith.cmpi sgt, %scan3A_141, %gt3A : i32
      %convert_element_type3A = arith.extui %gt3A_185 : i1 to i32
      %cond3A = arith.constant 0 : i32
      %cond3A_186 = arith.cmpi ne, %convert_element_type3A, %cond3A : i32
      scf.if %cond3A_186 {
        %dma_wait3A_429 = arith.constant 0 : i32
        %dma_wait3A_430 = arith.constant 0 : i32
        %dma_wait3A_431 = arith.constant 0 : i32
        %dma_wait3A_432 = tpu.memref_slice %arg10[%dma_wait3A_430, %dma_wait3A_431] : memref<32x128xf32, #tpu.memory_space<vmem>> -> memref<8x128xf32, #tpu.memory_space<vmem>>
        %dma_wait3A_433 = arith.constant 0 : i32
        %dma_wait3A_434 = arith.constant 0 : i32
        %dma_wait3A_435 = tpu.memref_slice %arg5[%add3A_145, %dma_wait3A_429, %add3A, %dma_wait3A_433, %dma_wait3A_434] : memref<200x4x32x8x128xf32, #tpu.memory_space<hbm>> -> memref<1x1x1x8x128xf32, #tpu.memory_space<hbm>>
        %dma_wait3A_436 = tpu.memref_squeeze %dma_wait3A_435 : memref<1x1x1x8x128xf32, #tpu.memory_space<hbm>> -> memref<8x128xf32, #tpu.memory_space<hbm>>
        %dma_wait3A_437 = arith.constant 0 : i32
        %dma_wait3A_438 = arith.constant 0 : i32
        %dma_wait3A_439 = tpu.memref_slice %arg5[%add3A_145, %dma_wait3A_429, %add3A, %dma_wait3A_437, %dma_wait3A_438] : memref<200x4x32x8x128xf32, #tpu.memory_space<hbm>> -> memref<1x1x1x8x128xf32, #tpu.memory_space<hbm>>
        %dma_wait3A_440 = tpu.memref_squeeze %dma_wait3A_439 : memref<1x1x1x8x128xf32, #tpu.memory_space<hbm>> -> memref<8x128xf32, #tpu.memory_space<hbm>>
        %dma_wait3A_441 = arith.constant 0 : i32
        %dma_wait3A_442 = arith.constant 0 : i32
        %dma_wait3A_443 = tpu.memref_slice %arg10[%dma_wait3A_441, %dma_wait3A_442] : memref<32x128xf32, #tpu.memory_space<vmem>> -> memref<8x128xf32, #tpu.memory_space<vmem>>
        tpu.wait_dma2 semaphore(%arg14 : memref<!tpu.dma_semaphore, #tpu.memory_space<semaphore_mem>>) src(%dma_wait3A_443 : memref<8x128xf32, #tpu.memory_space<vmem>>) dst(%dma_wait3A_440 : memref<8x128xf32, #tpu.memory_space<hbm>>)
        %dma_wait3A_444 = arith.constant 1 : i32
        %dma_wait3A_445 = arith.constant 8 : i32
        %dma_wait3A_446 = arith.constant 0 : i32
        %dma_wait3A_447 = tpu.memref_slice %arg10[%dma_wait3A_445, %dma_wait3A_446] : memref<32x128xf32, #tpu.memory_space<vmem>> -> memref<8x128xf32, #tpu.memory_space<vmem>>
        %dma_wait3A_448 = arith.constant 0 : i32
        %dma_wait3A_449 = arith.constant 0 : i32
        %dma_wait3A_450 = tpu.memref_slice %arg5[%add3A_145, %dma_wait3A_444, %add3A, %dma_wait3A_448, %dma_wait3A_449] : memref<200x4x32x8x128xf32, #tpu.memory_space<hbm>> -> memref<1x1x1x8x128xf32, #tpu.memory_space<hbm>>
        %dma_wait3A_451 = tpu.memref_squeeze %dma_wait3A_450 : memref<1x1x1x8x128xf32, #tpu.memory_space<hbm>> -> memref<8x128xf32, #tpu.memory_space<hbm>>
        %dma_wait3A_452 = arith.constant 0 : i32
        %dma_wait3A_453 = arith.constant 0 : i32
        %dma_wait3A_454 = tpu.memref_slice %arg5[%add3A_145, %dma_wait3A_444, %add3A, %dma_wait3A_452, %dma_wait3A_453] : memref<200x4x32x8x128xf32, #tpu.memory_space<hbm>> -> memref<1x1x1x8x128xf32, #tpu.memory_space<hbm>>
        %dma_wait3A_455 = tpu.memref_squeeze %dma_wait3A_454 : memref<1x1x1x8x128xf32, #tpu.memory_space<hbm>> -> memref<8x128xf32, #tpu.memory_space<hbm>>
        %dma_wait3A_456 = arith.constant 8 : i32
        %dma_wait3A_457 = arith.constant 0 : i32
        %dma_wait3A_458 = tpu.memref_slice %arg10[%dma_wait3A_456, %dma_wait3A_457] : memref<32x128xf32, #tpu.memory_space<vmem>> -> memref<8x128xf32, #tpu.memory_space<vmem>>
        tpu.wait_dma2 semaphore(%arg14 : memref<!tpu.dma_semaphore, #tpu.memory_space<semaphore_mem>>) src(%dma_wait3A_458 : memref<8x128xf32, #tpu.memory_space<vmem>>) dst(%dma_wait3A_455 : memref<8x128xf32, #tpu.memory_space<hbm>>)
        %dma_wait3A_459 = arith.constant 2 : i32
        %dma_wait3A_460 = arith.constant 16 : i32
        %dma_wait3A_461 = arith.constant 0 : i32
        %dma_wait3A_462 = tpu.memref_slice %arg10[%dma_wait3A_460, %dma_wait3A_461] : memref<32x128xf32, #tpu.memory_space<vmem>> -> memref<8x128xf32, #tpu.memory_space<vmem>>
        %dma_wait3A_463 = arith.constant 0 : i32
        %dma_wait3A_464 = arith.constant 0 : i32
        %dma_wait3A_465 = tpu.memref_slice %arg5[%add3A_145, %dma_wait3A_459, %add3A, %dma_wait3A_463, %dma_wait3A_464] : memref<200x4x32x8x128xf32, #tpu.memory_space<hbm>> -> memref<1x1x1x8x128xf32, #tpu.memory_space<hbm>>
        %dma_wait3A_466 = tpu.memref_squeeze %dma_wait3A_465 : memref<1x1x1x8x128xf32, #tpu.memory_space<hbm>> -> memref<8x128xf32, #tpu.memory_space<hbm>>
        %dma_wait3A_467 = arith.constant 0 : i32
        %dma_wait3A_468 = arith.constant 0 : i32
        %dma_wait3A_469 = tpu.memref_slice %arg5[%add3A_145, %dma_wait3A_459, %add3A, %dma_wait3A_467, %dma_wait3A_468] : memref<200x4x32x8x128xf32, #tpu.memory_space<hbm>> -> memref<1x1x1x8x128xf32, #tpu.memory_space<hbm>>
        %dma_wait3A_470 = tpu.memref_squeeze %dma_wait3A_469 : memref<1x1x1x8x128xf32, #tpu.memory_space<hbm>> -> memref<8x128xf32, #tpu.memory_space<hbm>>
        %dma_wait3A_471 = arith.constant 16 : i32
        %dma_wait3A_472 = arith.constant 0 : i32
        %dma_wait3A_473 = tpu.memref_slice %arg10[%dma_wait3A_471, %dma_wait3A_472] : memref<32x128xf32, #tpu.memory_space<vmem>> -> memref<8x128xf32, #tpu.memory_space<vmem>>
        tpu.wait_dma2 semaphore(%arg14 : memref<!tpu.dma_semaphore, #tpu.memory_space<semaphore_mem>>) src(%dma_wait3A_473 : memref<8x128xf32, #tpu.memory_space<vmem>>) dst(%dma_wait3A_470 : memref<8x128xf32, #tpu.memory_space<hbm>>)
        %dma_wait3A_474 = arith.constant 3 : i32
        %dma_wait3A_475 = arith.constant 24 : i32
        %dma_wait3A_476 = arith.constant 0 : i32
        %dma_wait3A_477 = tpu.memref_slice %arg10[%dma_wait3A_475, %dma_wait3A_476] : memref<32x128xf32, #tpu.memory_space<vmem>> -> memref<8x128xf32, #tpu.memory_space<vmem>>
        %dma_wait3A_478 = arith.constant 0 : i32
        %dma_wait3A_479 = arith.constant 0 : i32
        %dma_wait3A_480 = tpu.memref_slice %arg5[%add3A_145, %dma_wait3A_474, %add3A, %dma_wait3A_478, %dma_wait3A_479] : memref<200x4x32x8x128xf32, #tpu.memory_space<hbm>> -> memref<1x1x1x8x128xf32, #tpu.memory_space<hbm>>
        %dma_wait3A_481 = tpu.memref_squeeze %dma_wait3A_480 : memref<1x1x1x8x128xf32, #tpu.memory_space<hbm>> -> memref<8x128xf32, #tpu.memory_space<hbm>>
        %dma_wait3A_482 = arith.constant 0 : i32
        %dma_wait3A_483 = arith.constant 0 : i32
        %dma_wait3A_484 = tpu.memref_slice %arg5[%add3A_145, %dma_wait3A_474, %add3A, %dma_wait3A_482, %dma_wait3A_483] : memref<200x4x32x8x128xf32, #tpu.memory_space<hbm>> -> memref<1x1x1x8x128xf32, #tpu.memory_space<hbm>>
        %dma_wait3A_485 = tpu.memref_squeeze %dma_wait3A_484 : memref<1x1x1x8x128xf32, #tpu.memory_space<hbm>> -> memref<8x128xf32, #tpu.memory_space<hbm>>
        %dma_wait3A_486 = arith.constant 24 : i32
        %dma_wait3A_487 = arith.constant 0 : i32
        %dma_wait3A_488 = tpu.memref_slice %arg10[%dma_wait3A_486, %dma_wait3A_487] : memref<32x128xf32, #tpu.memory_space<vmem>> -> memref<8x128xf32, #tpu.memory_space<vmem>>
        tpu.wait_dma2 semaphore(%arg14 : memref<!tpu.dma_semaphore, #tpu.memory_space<semaphore_mem>>) src(%dma_wait3A_488 : memref<8x128xf32, #tpu.memory_space<vmem>>) dst(%dma_wait3A_485 : memref<8x128xf32, #tpu.memory_space<hbm>>)
      } else {
      }
      %jit3A_187 = arith.constant 8 : i32
      %div3A_188 = arith.divsi %add3A_145, %jit3A_187 : i32
      %sign3A_189 = arith.constant 0 : i32
      %sign3A_190 = arith.cmpi sgt, %add3A_145, %sign3A_189 : i32
      %sign3A_191 = arith.extui %sign3A_190 : i1 to i32
      %sign3A_192 = arith.constant 0 : i32
      %sign3A_193 = arith.cmpi slt, %add3A_145, %sign3A_192 : i32
      %sign3A_194 = arith.extui %sign3A_193 : i1 to i32
      %sign3A_195 = arith.subi %sign3A_191, %sign3A_194 : i32
      %sign3A_196 = arith.constant 0 : i32
      %sign3A_197 = arith.cmpi sgt, %jit3A_187, %sign3A_196 : i32
      %sign3A_198 = arith.extui %sign3A_197 : i1 to i32
      %sign3A_199 = arith.constant 0 : i32
      %sign3A_200 = arith.cmpi slt, %jit3A_187, %sign3A_199 : i32
      %sign3A_201 = arith.extui %sign3A_200 : i1 to i32
      %sign3A_202 = arith.subi %sign3A_198, %sign3A_201 : i32
      %ne3A_203 = arith.cmpi ne, %sign3A_195, %sign3A_202 : i32
      %rem3A_204 = arith.remsi %add3A_145, %jit3A_187 : i32
      %ne3A_205 = arith.constant 0 : i32
      %ne3A_206 = arith.cmpi ne, %rem3A_204, %ne3A_205 : i32
      %and3A_207 = arith.andi %ne3A_203, %ne3A_206 : i1
      %sub3A_208 = arith.constant 1 : i32
      %sub3A_209 = arith.subi %div3A_188, %sub3A_208 : i32
      %select_n3A_210 = arith.select %and3A_207, %sub3A_209, %div3A_188 : i32
      %jit3A_211 = arith.constant 8 : i32
      %eq3A_212 = arith.constant 0 : i32
      %eq3A_213 = arith.cmpi eq, %jit3A_211, %eq3A_212 : i32
      %jit3A_214 = arith.constant 1 : i32
      %select_n3A_215 = arith.select %eq3A_213, %jit3A_214, %jit3A_211 : i32
      %rem3A_216 = arith.remsi %add3A_145, %select_n3A_215 : i32
      %ne3A_217 = arith.constant 0 : i32
      %ne3A_218 = arith.cmpi ne, %rem3A_216, %ne3A_217 : i32
      %lt3A_219 = arith.constant 0 : i32
      %lt3A_220 = arith.cmpi slt, %rem3A_216, %lt3A_219 : i32
      %lt3A_221 = arith.constant 0 : i32
      %lt3A_222 = arith.cmpi slt, %select_n3A_215, %lt3A_221 : i32
      %ne3A_223 = arith.xori %lt3A_220, %lt3A_222 : i1
      %and3A_224 = arith.andi %ne3A_223, %ne3A_218 : i1
      %add3A_225 = arith.addi %rem3A_216, %select_n3A_215 : i32
      %select_n3A_226 = arith.select %and3A_224, %add3A_225, %rem3A_216 : i32
      %dma_wait3A_227 = arith.constant 0 : i32
      %dma_wait3A_228 = arith.constant 0 : i32
      %dma_wait3A_229 = tpu.memref_slice %arg6[%select_n3A_210, %dma_wait3A_227, %select_n3A_226, %dma_wait3A_228] : memref<25x1x8x128xi32, #tpu.memory_space<vmem>> -> memref<1x1x1x128xi32, #tpu.memory_space<vmem>>
      %dma_wait3A_230 = tpu.memref_squeeze %dma_wait3A_229 : memref<1x1x1x128xi32, #tpu.memory_space<vmem>> -> memref<128xi32, #tpu.memory_space<vmem>>
      %dma_wait3A_231 = arith.constant 0 : i32
      %dma_wait3A_232 = arith.constant 0 : i32
      %dma_wait3A_233 = tpu.memref_slice %arg3[%dma_wait3A_231, %dma_wait3A_232] : memref<1000000x32xf32, #tpu.memory_space<hbm>> -> memref<1000000x32xf32, #tpu.memory_space<hbm>>
      tpu.wait_indirect_dma semaphore(%arg12 : memref<!tpu.dma_semaphore, #tpu.memory_space<semaphore_mem>>) src(%dma_wait3A_233 : memref<1000000x32xf32, #tpu.memory_space<hbm>>) dst(%arg8 : memref<128x32xf32, #tpu.memory_space<vmem>>)
      %scan3A_234 = arith.constant 0 : i32
      %scan3A_235 = arith.constant 0 : i32
      %scan3A_236 = arith.constant 8 : i32
      %scan3A_237 = arith.addi %scan3A_235, %scan3A_236 : i32
      %scan3A_238 = arith.constant 1 : i32
      scf.for %scan3A_429 = %scan3A_235 to %scan3A_237 step %scan3A_238  : i32 {
        %mul3A_430 = arith.constant 16 : i32
        %mul3A_431 = arith.muli %scan3A_429, %mul3A_430 : i32
        %get3A = arith.index_cast %add3A_145 : i32 to index
        %get3A_432 = arith.constant 0 : index
        %get3A_433 = tpu.vector_load %arg7[%get3A, %get3A_432] {strides = array<i32>} : memref<200x32xf32, #tpu.memory_space<vmem>>, vector<16xf32>,
        %get3A_434 = arith.index_cast %add3A_145 : i32 to index
        %get3A_435 = arith.constant 16 : index
        %get3A_436 = tpu.vector_load %arg7[%get3A_434, %get3A_435] {strides = array<i32>} : memref<200x32xf32, #tpu.memory_space<vmem>>, vector<16xf32>,
        %add3A_437 = arith.constant 0 : i32
        %add3A_438 = arith.addi %mul3A_431, %add3A_437 : i32
        %broadcast_in_dim3A = arith.constant 0 : i32
        %broadcast_in_dim3A_439 = vector.broadcast %broadcast_in_dim3A : i32 to vector<16xi32>
        %add3A_440 = vector.broadcast %add3A_438 : i32 to vector<16xi32>
        %add3A_441 = arith.addi %broadcast_in_dim3A_439, %add3A_440 : vector<16xi32>
        %get3A_442 = arith.index_cast %add3A_438 : i32 to index
        %get3A_443 = arith.constant 0 : index
        %get3A_444 = tpu.vector_load %arg8[%get3A_442, %get3A_443] {strides = array<i32>} : memref<128x32xf32, #tpu.memory_space<vmem>>, vector<16xf32>,
        %add3A_445 = arith.addf %get3A_444, %get3A_433 : vector<16xf32>
        %get3A_446 = arith.index_cast %add3A_438 : i32 to index
        %get3A_447 = arith.constant 16 : index
        %get3A_448 = tpu.vector_load %arg8[%get3A_446, %get3A_447] {strides = array<i32>} : memref<128x32xf32, #tpu.memory_space<vmem>>, vector<16xf32>,
        %add3A_449 = arith.addf %get3A_448, %get3A_436 : vector<16xf32>
        tpu.vector_store_idx %arg10[%iota3A, %add3A_441], %add3A_445 : memref<32x128xf32, #tpu.memory_space<vmem>>[vector<16xi32>, vector<16xi32>], vector<16xf32>,
        %add3A_450 = arith.constant 16 : i32
        %add3A_451 = vector.broadcast %add3A_450 : i32 to vector<16xi32>
        %add3A_452 = arith.addi %iota3A, %add3A_451 : vector<16xi32>
        tpu.vector_store_idx %arg10[%add3A_452, %add3A_441], %add3A_449 : memref<32x128xf32, #tpu.memory_space<vmem>>[vector<16xi32>, vector<16xi32>], vector<16xf32>,
        %add3A_453 = arith.constant 1 : i32
        %add3A_454 = arith.addi %mul3A_431, %add3A_453 : i32
        %broadcast_in_dim3A_455 = arith.constant 0 : i32
        %broadcast_in_dim3A_456 = vector.broadcast %broadcast_in_dim3A_455 : i32 to vector<16xi32>
        %add3A_457 = vector.broadcast %add3A_454 : i32 to vector<16xi32>
        %add3A_458 = arith.addi %broadcast_in_dim3A_456, %add3A_457 : vector<16xi32>
        %get3A_459 = arith.index_cast %add3A_454 : i32 to index
        %get3A_460 = arith.constant 0 : index
        %get3A_461 = tpu.vector_load %arg8[%get3A_459, %get3A_460] {strides = array<i32>} : memref<128x32xf32, #tpu.memory_space<vmem>>, vector<16xf32>,
        %add3A_462 = arith.addf %get3A_461, %get3A_433 : vector<16xf32>
        %get3A_463 = arith.index_cast %add3A_454 : i32 to index
        %get3A_464 = arith.constant 16 : index
        %get3A_465 = tpu.vector_load %arg8[%get3A_463, %get3A_464] {strides = array<i32>} : memref<128x32xf32, #tpu.memory_space<vmem>>, vector<16xf32>,
        %add3A_466 = arith.addf %get3A_465, %get3A_436 : vector<16xf32>
        tpu.vector_store_idx %arg10[%iota3A, %add3A_458], %add3A_462 : memref<32x128xf32, #tpu.memory_space<vmem>>[vector<16xi32>, vector<16xi32>], vector<16xf32>,
        %add3A_467 = arith.constant 16 : i32
        %add3A_468 = vector.broadcast %add3A_467 : i32 to vector<16xi32>
        %add3A_469 = arith.addi %iota3A, %add3A_468 : vector<16xi32>
        tpu.vector_store_idx %arg10[%add3A_469, %add3A_458], %add3A_466 : memref<32x128xf32, #tpu.memory_space<vmem>>[vector<16xi32>, vector<16xi32>], vector<16xf32>,
        %add3A_470 = arith.constant 2 : i32
        %add3A_471 = arith.addi %mul3A_431, %add3A_470 : i32
        %broadcast_in_dim3A_472 = arith.constant 0 : i32
        %broadcast_in_dim3A_473 = vector.broadcast %broadcast_in_dim3A_472 : i32 to vector<16xi32>
        %add3A_474 = vector.broadcast %add3A_471 : i32 to vector<16xi32>
        %add3A_475 = arith.addi %broadcast_in_dim3A_473, %add3A_474 : vector<16xi32>
        %get3A_476 = arith.index_cast %add3A_471 : i32 to index
        %get3A_477 = arith.constant 0 : index
        %get3A_478 = tpu.vector_load %arg8[%get3A_476, %get3A_477] {strides = array<i32>} : memref<128x32xf32, #tpu.memory_space<vmem>>, vector<16xf32>,
        %add3A_479 = arith.addf %get3A_478, %get3A_433 : vector<16xf32>
        %get3A_480 = arith.index_cast %add3A_471 : i32 to index
        %get3A_481 = arith.constant 16 : index
        %get3A_482 = tpu.vector_load %arg8[%get3A_480, %get3A_481] {strides = array<i32>} : memref<128x32xf32, #tpu.memory_space<vmem>>, vector<16xf32>,
        %add3A_483 = arith.addf %get3A_482, %get3A_436 : vector<16xf32>
        tpu.vector_store_idx %arg10[%iota3A, %add3A_475], %add3A_479 : memref<32x128xf32, #tpu.memory_space<vmem>>[vector<16xi32>, vector<16xi32>], vector<16xf32>,
        %add3A_484 = arith.constant 16 : i32
        %add3A_485 = vector.broadcast %add3A_484 : i32 to vector<16xi32>
        %add3A_486 = arith.addi %iota3A, %add3A_485 : vector<16xi32>
        tpu.vector_store_idx %arg10[%add3A_486, %add3A_475], %add3A_483 : memref<32x128xf32, #tpu.memory_space<vmem>>[vector<16xi32>, vector<16xi32>], vector<16xf32>,
        %add3A_487 = arith.constant 3 : i32
        %add3A_488 = arith.addi %mul3A_431, %add3A_487 : i32
        %broadcast_in_dim3A_489 = arith.constant 0 : i32
        %broadcast_in_dim3A_490 = vector.broadcast %broadcast_in_dim3A_489 : i32 to vector<16xi32>
        %add3A_491 = vector.broadcast %add3A_488 : i32 to vector<16xi32>
        %add3A_492 = arith.addi %broadcast_in_dim3A_490, %add3A_491 : vector<16xi32>
        %get3A_493 = arith.index_cast %add3A_488 : i32 to index
        %get3A_494 = arith.constant 0 : index
        %get3A_495 = tpu.vector_load %arg8[%get3A_493, %get3A_494] {strides = array<i32>} : memref<128x32xf32, #tpu.memory_space<vmem>>, vector<16xf32>,
        %add3A_496 = arith.addf %get3A_495, %get3A_433 : vector<16xf32>
        %get3A_497 = arith.index_cast %add3A_488 : i32 to index
        %get3A_498 = arith.constant 16 : index
        %get3A_499 = tpu.vector_load %arg8[%get3A_497, %get3A_498] {strides = array<i32>} : memref<128x32xf32, #tpu.memory_space<vmem>>, vector<16xf32>,
        %add3A_500 = arith.addf %get3A_499, %get3A_436 : vector<16xf32>
        tpu.vector_store_idx %arg10[%iota3A, %add3A_492], %add3A_496 : memref<32x128xf32, #tpu.memory_space<vmem>>[vector<16xi32>, vector<16xi32>], vector<16xf32>,
        %add3A_501 = arith.constant 16 : i32
        %add3A_502 = vector.broadcast %add3A_501 : i32 to vector<16xi32>
        %add3A_503 = arith.addi %iota3A, %add3A_502 : vector<16xi32>
        tpu.vector_store_idx %arg10[%add3A_503, %add3A_492], %add3A_500 : memref<32x128xf32, #tpu.memory_space<vmem>>[vector<16xi32>, vector<16xi32>], vector<16xf32>,
        %add3A_504 = arith.constant 4 : i32
        %add3A_505 = arith.addi %mul3A_431, %add3A_504 : i32
        %broadcast_in_dim3A_506 = arith.constant 0 : i32
        %broadcast_in_dim3A_507 = vector.broadcast %broadcast_in_dim3A_506 : i32 to vector<16xi32>
        %add3A_508 = vector.broadcast %add3A_505 : i32 to vector<16xi32>
        %add3A_509 = arith.addi %broadcast_in_dim3A_507, %add3A_508 : vector<16xi32>
        %get3A_510 = arith.index_cast %add3A_505 : i32 to index
        %get3A_511 = arith.constant 0 : index
        %get3A_512 = tpu.vector_load %arg8[%get3A_510, %get3A_511] {strides = array<i32>} : memref<128x32xf32, #tpu.memory_space<vmem>>, vector<16xf32>,
        %add3A_513 = arith.addf %get3A_512, %get3A_433 : vector<16xf32>
        %get3A_514 = arith.index_cast %add3A_505 : i32 to index
        %get3A_515 = arith.constant 16 : index
        %get3A_516 = tpu.vector_load %arg8[%get3A_514, %get3A_515] {strides = array<i32>} : memref<128x32xf32, #tpu.memory_space<vmem>>, vector<16xf32>,
        %add3A_517 = arith.addf %get3A_516, %get3A_436 : vector<16xf32>
        tpu.vector_store_idx %arg10[%iota3A, %add3A_509], %add3A_513 : memref<32x128xf32, #tpu.memory_space<vmem>>[vector<16xi32>, vector<16xi32>], vector<16xf32>,
        %add3A_518 = arith.constant 16 : i32
        %add3A_519 = vector.broadcast %add3A_518 : i32 to vector<16xi32>
        %add3A_520 = arith.addi %iota3A, %add3A_519 : vector<16xi32>
        tpu.vector_store_idx %arg10[%add3A_520, %add3A_509], %add3A_517 : memref<32x128xf32, #tpu.memory_space<vmem>>[vector<16xi32>, vector<16xi32>], vector<16xf32>,
        %add3A_521 = arith.constant 5 : i32
        %add3A_522 = arith.addi %mul3A_431, %add3A_521 : i32
        %broadcast_in_dim3A_523 = arith.constant 0 : i32
        %broadcast_in_dim3A_524 = vector.broadcast %broadcast_in_dim3A_523 : i32 to vector<16xi32>
        %add3A_525 = vector.broadcast %add3A_522 : i32 to vector<16xi32>
        %add3A_526 = arith.addi %broadcast_in_dim3A_524, %add3A_525 : vector<16xi32>
        %get3A_527 = arith.index_cast %add3A_522 : i32 to index
        %get3A_528 = arith.constant 0 : index
        %get3A_529 = tpu.vector_load %arg8[%get3A_527, %get3A_528] {strides = array<i32>} : memref<128x32xf32, #tpu.memory_space<vmem>>, vector<16xf32>,
        %add3A_530 = arith.addf %get3A_529, %get3A_433 : vector<16xf32>
        %get3A_531 = arith.index_cast %add3A_522 : i32 to index
        %get3A_532 = arith.constant 16 : index
        %get3A_533 = tpu.vector_load %arg8[%get3A_531, %get3A_532] {strides = array<i32>} : memref<128x32xf32, #tpu.memory_space<vmem>>, vector<16xf32>,
        %add3A_534 = arith.addf %get3A_533, %get3A_436 : vector<16xf32>
        tpu.vector_store_idx %arg10[%iota3A, %add3A_526], %add3A_530 : memref<32x128xf32, #tpu.memory_space<vmem>>[vector<16xi32>, vector<16xi32>], vector<16xf32>,
        %add3A_535 = arith.constant 16 : i32
        %add3A_536 = vector.broadcast %add3A_535 : i32 to vector<16xi32>
        %add3A_537 = arith.addi %iota3A, %add3A_536 : vector<16xi32>
        tpu.vector_store_idx %arg10[%add3A_537, %add3A_526], %add3A_534 : memref<32x128xf32, #tpu.memory_space<vmem>>[vector<16xi32>, vector<16xi32>], vector<16xf32>,
        %add3A_538 = arith.constant 6 : i32
        %add3A_539 = arith.addi %mul3A_431, %add3A_538 : i32
        %broadcast_in_dim3A_540 = arith.constant 0 : i32
        %broadcast_in_dim3A_541 = vector.broadcast %broadcast_in_dim3A_540 : i32 to vector<16xi32>
        %add3A_542 = vector.broadcast %add3A_539 : i32 to vector<16xi32>
        %add3A_543 = arith.addi %broadcast_in_dim3A_541, %add3A_542 : vector<16xi32>
        %get3A_544 = arith.index_cast %add3A_539 : i32 to index
        %get3A_545 = arith.constant 0 : index
        %get3A_546 = tpu.vector_load %arg8[%get3A_544, %get3A_545] {strides = array<i32>} : memref<128x32xf32, #tpu.memory_space<vmem>>, vector<16xf32>,
        %add3A_547 = arith.addf %get3A_546, %get3A_433 : vector<16xf32>
        %get3A_548 = arith.index_cast %add3A_539 : i32 to index
        %get3A_549 = arith.constant 16 : index
        %get3A_550 = tpu.vector_load %arg8[%get3A_548, %get3A_549] {strides = array<i32>} : memref<128x32xf32, #tpu.memory_space<vmem>>, vector<16xf32>,
        %add3A_551 = arith.addf %get3A_550, %get3A_436 : vector<16xf32>
        tpu.vector_store_idx %arg10[%iota3A, %add3A_543], %add3A_547 : memref<32x128xf32, #tpu.memory_space<vmem>>[vector<16xi32>, vector<16xi32>], vector<16xf32>,
        %add3A_552 = arith.constant 16 : i32
        %add3A_553 = vector.broadcast %add3A_552 : i32 to vector<16xi32>
        %add3A_554 = arith.addi %iota3A, %add3A_553 : vector<16xi32>
        tpu.vector_store_idx %arg10[%add3A_554, %add3A_543], %add3A_551 : memref<32x128xf32, #tpu.memory_space<vmem>>[vector<16xi32>, vector<16xi32>], vector<16xf32>,
        %add3A_555 = arith.constant 7 : i32
        %add3A_556 = arith.addi %mul3A_431, %add3A_555 : i32
        %broadcast_in_dim3A_557 = arith.constant 0 : i32
        %broadcast_in_dim3A_558 = vector.broadcast %broadcast_in_dim3A_557 : i32 to vector<16xi32>
        %add3A_559 = vector.broadcast %add3A_556 : i32 to vector<16xi32>
        %add3A_560 = arith.addi %broadcast_in_dim3A_558, %add3A_559 : vector<16xi32>
        %get3A_561 = arith.index_cast %add3A_556 : i32 to index
        %get3A_562 = arith.constant 0 : index
        %get3A_563 = tpu.vector_load %arg8[%get3A_561, %get3A_562] {strides = array<i32>} : memref<128x32xf32, #tpu.memory_space<vmem>>, vector<16xf32>,
        %add3A_564 = arith.addf %get3A_563, %get3A_433 : vector<16xf32>
        %get3A_565 = arith.index_cast %add3A_556 : i32 to index
        %get3A_566 = arith.constant 16 : index
        %get3A_567 = tpu.vector_load %arg8[%get3A_565, %get3A_566] {strides = array<i32>} : memref<128x32xf32, #tpu.memory_space<vmem>>, vector<16xf32>,
        %add3A_568 = arith.addf %get3A_567, %get3A_436 : vector<16xf32>
        tpu.vector_store_idx %arg10[%iota3A, %add3A_560], %add3A_564 : memref<32x128xf32, #tpu.memory_space<vmem>>[vector<16xi32>, vector<16xi32>], vector<16xf32>,
        %add3A_569 = arith.constant 16 : i32
        %add3A_570 = vector.broadcast %add3A_569 : i32 to vector<16xi32>
        %add3A_571 = arith.addi %iota3A, %add3A_570 : vector<16xi32>
        tpu.vector_store_idx %arg10[%add3A_571, %add3A_560], %add3A_568 : memref<32x128xf32, #tpu.memory_space<vmem>>[vector<16xi32>, vector<16xi32>], vector<16xf32>,
        %add3A_572 = arith.constant 8 : i32
        %add3A_573 = arith.addi %mul3A_431, %add3A_572 : i32
        %broadcast_in_dim3A_574 = arith.constant 0 : i32
        %broadcast_in_dim3A_575 = vector.broadcast %broadcast_in_dim3A_574 : i32 to vector<16xi32>
        %add3A_576 = vector.broadcast %add3A_573 : i32 to vector<16xi32>
        %add3A_577 = arith.addi %broadcast_in_dim3A_575, %add3A_576 : vector<16xi32>
        %get3A_578 = arith.index_cast %add3A_573 : i32 to index
        %get3A_579 = arith.constant 0 : index
        %get3A_580 = tpu.vector_load %arg8[%get3A_578, %get3A_579] {strides = array<i32>} : memref<128x32xf32, #tpu.memory_space<vmem>>, vector<16xf32>,
        %add3A_581 = arith.addf %get3A_580, %get3A_433 : vector<16xf32>
        %get3A_582 = arith.index_cast %add3A_573 : i32 to index
        %get3A_583 = arith.constant 16 : index
        %get3A_584 = tpu.vector_load %arg8[%get3A_582, %get3A_583] {strides = array<i32>} : memref<128x32xf32, #tpu.memory_space<vmem>>, vector<16xf32>,
        %add3A_585 = arith.addf %get3A_584, %get3A_436 : vector<16xf32>
        tpu.vector_store_idx %arg10[%iota3A, %add3A_577], %add3A_581 : memref<32x128xf32, #tpu.memory_space<vmem>>[vector<16xi32>, vector<16xi32>], vector<16xf32>,
        %add3A_586 = arith.constant 16 : i32
        %add3A_587 = vector.broadcast %add3A_586 : i32 to vector<16xi32>
        %add3A_588 = arith.addi %iota3A, %add3A_587 : vector<16xi32>
        tpu.vector_store_idx %arg10[%add3A_588, %add3A_577], %add3A_585 : memref<32x128xf32, #tpu.memory_space<vmem>>[vector<16xi32>, vector<16xi32>], vector<16xf32>,
        %add3A_589 = arith.constant 9 : i32
        %add3A_590 = arith.addi %mul3A_431, %add3A_589 : i32
        %broadcast_in_dim3A_591 = arith.constant 0 : i32
        %broadcast_in_dim3A_592 = vector.broadcast %broadcast_in_dim3A_591 : i32 to vector<16xi32>
        %add3A_593 = vector.broadcast %add3A_590 : i32 to vector<16xi32>
        %add3A_594 = arith.addi %broadcast_in_dim3A_592, %add3A_593 : vector<16xi32>
        %get3A_595 = arith.index_cast %add3A_590 : i32 to index
        %get3A_596 = arith.constant 0 : index
        %get3A_597 = tpu.vector_load %arg8[%get3A_595, %get3A_596] {strides = array<i32>} : memref<128x32xf32, #tpu.memory_space<vmem>>, vector<16xf32>,
        %add3A_598 = arith.addf %get3A_597, %get3A_433 : vector<16xf32>
        %get3A_599 = arith.index_cast %add3A_590 : i32 to index
        %get3A_600 = arith.constant 16 : index
        %get3A_601 = tpu.vector_load %arg8[%get3A_599, %get3A_600] {strides = array<i32>} : memref<128x32xf32, #tpu.memory_space<vmem>>, vector<16xf32>,
        %add3A_602 = arith.addf %get3A_601, %get3A_436 : vector<16xf32>
        tpu.vector_store_idx %arg10[%iota3A, %add3A_594], %add3A_598 : memref<32x128xf32, #tpu.memory_space<vmem>>[vector<16xi32>, vector<16xi32>], vector<16xf32>,
        %add3A_603 = arith.constant 16 : i32
        %add3A_604 = vector.broadcast %add3A_603 : i32 to vector<16xi32>
        %add3A_605 = arith.addi %iota3A, %add3A_604 : vector<16xi32>
        tpu.vector_store_idx %arg10[%add3A_605, %add3A_594], %add3A_602 : memref<32x128xf32, #tpu.memory_space<vmem>>[vector<16xi32>, vector<16xi32>], vector<16xf32>,
        %add3A_606 = arith.constant 10 : i32
        %add3A_607 = arith.addi %mul3A_431, %add3A_606 : i32
        %broadcast_in_dim3A_608 = arith.constant 0 : i32
        %broadcast_in_dim3A_609 = vector.broadcast %broadcast_in_dim3A_608 : i32 to vector<16xi32>
        %add3A_610 = vector.broadcast %add3A_607 : i32 to vector<16xi32>
        %add3A_611 = arith.addi %broadcast_in_dim3A_609, %add3A_610 : vector<16xi32>
        %get3A_612 = arith.index_cast %add3A_607 : i32 to index
        %get3A_613 = arith.constant 0 : index
        %get3A_614 = tpu.vector_load %arg8[%get3A_612, %get3A_613] {strides = array<i32>} : memref<128x32xf32, #tpu.memory_space<vmem>>, vector<16xf32>,
        %add3A_615 = arith.addf %get3A_614, %get3A_433 : vector<16xf32>
        %get3A_616 = arith.index_cast %add3A_607 : i32 to index
        %get3A_617 = arith.constant 16 : index
        %get3A_618 = tpu.vector_load %arg8[%get3A_616, %get3A_617] {strides = array<i32>} : memref<128x32xf32, #tpu.memory_space<vmem>>, vector<16xf32>,
        %add3A_619 = arith.addf %get3A_618, %get3A_436 : vector<16xf32>
        tpu.vector_store_idx %arg10[%iota3A, %add3A_611], %add3A_615 : memref<32x128xf32, #tpu.memory_space<vmem>>[vector<16xi32>, vector<16xi32>], vector<16xf32>,
        %add3A_620 = arith.constant 16 : i32
        %add3A_621 = vector.broadcast %add3A_620 : i32 to vector<16xi32>
        %add3A_622 = arith.addi %iota3A, %add3A_621 : vector<16xi32>
        tpu.vector_store_idx %arg10[%add3A_622, %add3A_611], %add3A_619 : memref<32x128xf32, #tpu.memory_space<vmem>>[vector<16xi32>, vector<16xi32>], vector<16xf32>,
        %add3A_623 = arith.constant 11 : i32
        %add3A_624 = arith.addi %mul3A_431, %add3A_623 : i32
        %broadcast_in_dim3A_625 = arith.constant 0 : i32
        %broadcast_in_dim3A_626 = vector.broadcast %broadcast_in_dim3A_625 : i32 to vector<16xi32>
        %add3A_627 = vector.broadcast %add3A_624 : i32 to vector<16xi32>
        %add3A_628 = arith.addi %broadcast_in_dim3A_626, %add3A_627 : vector<16xi32>
        %get3A_629 = arith.index_cast %add3A_624 : i32 to index
        %get3A_630 = arith.constant 0 : index
        %get3A_631 = tpu.vector_load %arg8[%get3A_629, %get3A_630] {strides = array<i32>} : memref<128x32xf32, #tpu.memory_space<vmem>>, vector<16xf32>,
        %add3A_632 = arith.addf %get3A_631, %get3A_433 : vector<16xf32>
        %get3A_633 = arith.index_cast %add3A_624 : i32 to index
        %get3A_634 = arith.constant 16 : index
        %get3A_635 = tpu.vector_load %arg8[%get3A_633, %get3A_634] {strides = array<i32>} : memref<128x32xf32, #tpu.memory_space<vmem>>, vector<16xf32>,
        %add3A_636 = arith.addf %get3A_635, %get3A_436 : vector<16xf32>
        tpu.vector_store_idx %arg10[%iota3A, %add3A_628], %add3A_632 : memref<32x128xf32, #tpu.memory_space<vmem>>[vector<16xi32>, vector<16xi32>], vector<16xf32>,
        %add3A_637 = arith.constant 16 : i32
        %add3A_638 = vector.broadcast %add3A_637 : i32 to vector<16xi32>
        %add3A_639 = arith.addi %iota3A, %add3A_638 : vector<16xi32>
        tpu.vector_store_idx %arg10[%add3A_639, %add3A_628], %add3A_636 : memref<32x128xf32, #tpu.memory_space<vmem>>[vector<16xi32>, vector<16xi32>], vector<16xf32>,
        %add3A_640 = arith.constant 12 : i32
        %add3A_641 = arith.addi %mul3A_431, %add3A_640 : i32
        %broadcast_in_dim3A_642 = arith.constant 0 : i32
        %broadcast_in_dim3A_643 = vector.broadcast %broadcast_in_dim3A_642 : i32 to vector<16xi32>
        %add3A_644 = vector.broadcast %add3A_641 : i32 to vector<16xi32>
        %add3A_645 = arith.addi %broadcast_in_dim3A_643, %add3A_644 : vector<16xi32>
        %get3A_646 = arith.index_cast %add3A_641 : i32 to index
        %get3A_647 = arith.constant 0 : index
        %get3A_648 = tpu.vector_load %arg8[%get3A_646, %get3A_647] {strides = array<i32>} : memref<128x32xf32, #tpu.memory_space<vmem>>, vector<16xf32>,
        %add3A_649 = arith.addf %get3A_648, %get3A_433 : vector<16xf32>
        %get3A_650 = arith.index_cast %add3A_641 : i32 to index
        %get3A_651 = arith.constant 16 : index
        %get3A_652 = tpu.vector_load %arg8[%get3A_650, %get3A_651] {strides = array<i32>} : memref<128x32xf32, #tpu.memory_space<vmem>>, vector<16xf32>,
        %add3A_653 = arith.addf %get3A_652, %get3A_436 : vector<16xf32>
        tpu.vector_store_idx %arg10[%iota3A, %add3A_645], %add3A_649 : memref<32x128xf32, #tpu.memory_space<vmem>>[vector<16xi32>, vector<16xi32>], vector<16xf32>,
        %add3A_654 = arith.constant 16 : i32
        %add3A_655 = vector.broadcast %add3A_654 : i32 to vector<16xi32>
        %add3A_656 = arith.addi %iota3A, %add3A_655 : vector<16xi32>
        tpu.vector_store_idx %arg10[%add3A_656, %add3A_645], %add3A_653 : memref<32x128xf32, #tpu.memory_space<vmem>>[vector<16xi32>, vector<16xi32>], vector<16xf32>,
        %add3A_657 = arith.constant 13 : i32
        %add3A_658 = arith.addi %mul3A_431, %add3A_657 : i32
        %broadcast_in_dim3A_659 = arith.constant 0 : i32
        %broadcast_in_dim3A_660 = vector.broadcast %broadcast_in_dim3A_659 : i32 to vector<16xi32>
        %add3A_661 = vector.broadcast %add3A_658 : i32 to vector<16xi32>
        %add3A_662 = arith.addi %broadcast_in_dim3A_660, %add3A_661 : vector<16xi32>
        %get3A_663 = arith.index_cast %add3A_658 : i32 to index
        %get3A_664 = arith.constant 0 : index
        %get3A_665 = tpu.vector_load %arg8[%get3A_663, %get3A_664] {strides = array<i32>} : memref<128x32xf32, #tpu.memory_space<vmem>>, vector<16xf32>,
        %add3A_666 = arith.addf %get3A_665, %get3A_433 : vector<16xf32>
        %get3A_667 = arith.index_cast %add3A_658 : i32 to index
        %get3A_668 = arith.constant 16 : index
        %get3A_669 = tpu.vector_load %arg8[%get3A_667, %get3A_668] {strides = array<i32>} : memref<128x32xf32, #tpu.memory_space<vmem>>, vector<16xf32>,
        %add3A_670 = arith.addf %get3A_669, %get3A_436 : vector<16xf32>
        tpu.vector_store_idx %arg10[%iota3A, %add3A_662], %add3A_666 : memref<32x128xf32, #tpu.memory_space<vmem>>[vector<16xi32>, vector<16xi32>], vector<16xf32>,
        %add3A_671 = arith.constant 16 : i32
        %add3A_672 = vector.broadcast %add3A_671 : i32 to vector<16xi32>
        %add3A_673 = arith.addi %iota3A, %add3A_672 : vector<16xi32>
        tpu.vector_store_idx %arg10[%add3A_673, %add3A_662], %add3A_670 : memref<32x128xf32, #tpu.memory_space<vmem>>[vector<16xi32>, vector<16xi32>], vector<16xf32>,
        %add3A_674 = arith.constant 14 : i32
        %add3A_675 = arith.addi %mul3A_431, %add3A_674 : i32
        %broadcast_in_dim3A_676 = arith.constant 0 : i32
        %broadcast_in_dim3A_677 = vector.broadcast %broadcast_in_dim3A_676 : i32 to vector<16xi32>
        %add3A_678 = vector.broadcast %add3A_675 : i32 to vector<16xi32>
        %add3A_679 = arith.addi %broadcast_in_dim3A_677, %add3A_678 : vector<16xi32>
        %get3A_680 = arith.index_cast %add3A_675 : i32 to index
        %get3A_681 = arith.constant 0 : index
        %get3A_682 = tpu.vector_load %arg8[%get3A_680, %get3A_681] {strides = array<i32>} : memref<128x32xf32, #tpu.memory_space<vmem>>, vector<16xf32>,
        %add3A_683 = arith.addf %get3A_682, %get3A_433 : vector<16xf32>
        %get3A_684 = arith.index_cast %add3A_675 : i32 to index
        %get3A_685 = arith.constant 16 : index
        %get3A_686 = tpu.vector_load %arg8[%get3A_684, %get3A_685] {strides = array<i32>} : memref<128x32xf32, #tpu.memory_space<vmem>>, vector<16xf32>,
        %add3A_687 = arith.addf %get3A_686, %get3A_436 : vector<16xf32>
        tpu.vector_store_idx %arg10[%iota3A, %add3A_679], %add3A_683 : memref<32x128xf32, #tpu.memory_space<vmem>>[vector<16xi32>, vector<16xi32>], vector<16xf32>,
        %add3A_688 = arith.constant 16 : i32
        %add3A_689 = vector.broadcast %add3A_688 : i32 to vector<16xi32>
        %add3A_690 = arith.addi %iota3A, %add3A_689 : vector<16xi32>
        tpu.vector_store_idx %arg10[%add3A_690, %add3A_679], %add3A_687 : memref<32x128xf32, #tpu.memory_space<vmem>>[vector<16xi32>, vector<16xi32>], vector<16xf32>,
        %add3A_691 = arith.constant 15 : i32
        %add3A_692 = arith.addi %mul3A_431, %add3A_691 : i32
        %broadcast_in_dim3A_693 = arith.constant 0 : i32
        %broadcast_in_dim3A_694 = vector.broadcast %broadcast_in_dim3A_693 : i32 to vector<16xi32>
        %add3A_695 = vector.broadcast %add3A_692 : i32 to vector<16xi32>
        %add3A_696 = arith.addi %broadcast_in_dim3A_694, %add3A_695 : vector<16xi32>
        %get3A_697 = arith.index_cast %add3A_692 : i32 to index
        %get3A_698 = arith.constant 0 : index
        %get3A_699 = tpu.vector_load %arg8[%get3A_697, %get3A_698] {strides = array<i32>} : memref<128x32xf32, #tpu.memory_space<vmem>>, vector<16xf32>,
        %add3A_700 = arith.addf %get3A_699, %get3A_433 : vector<16xf32>
        %get3A_701 = arith.index_cast %add3A_692 : i32 to index
        %get3A_702 = arith.constant 16 : index
        %get3A_703 = tpu.vector_load %arg8[%get3A_701, %get3A_702] {strides = array<i32>} : memref<128x32xf32, #tpu.memory_space<vmem>>, vector<16xf32>,
        %add3A_704 = arith.addf %get3A_703, %get3A_436 : vector<16xf32>
        tpu.vector_store_idx %arg10[%iota3A, %add3A_696], %add3A_700 : memref<32x128xf32, #tpu.memory_space<vmem>>[vector<16xi32>, vector<16xi32>], vector<16xf32>,
        %add3A_705 = arith.constant 16 : i32
        %add3A_706 = vector.broadcast %add3A_705 : i32 to vector<16xi32>
        %add3A_707 = arith.addi %iota3A, %add3A_706 : vector<16xi32>
        tpu.vector_store_idx %arg10[%add3A_707, %add3A_696], %add3A_704 : memref<32x128xf32, #tpu.memory_space<vmem>>[vector<16xi32>, vector<16xi32>], vector<16xf32>,
      }
      %scan3A_239 = arith.constant 8 : i32
      %dma_start3A_240 = arith.constant 0 : i32
      %dma_start3A_241 = arith.constant 0 : i32
      %dma_start3A_242 = arith.constant 0 : i32
      %dma_start3A_243 = tpu.memref_slice %arg10[%dma_start3A_241, %dma_start3A_242] : memref<32x128xf32, #tpu.memory_space<vmem>> -> memref<8x128xf32, #tpu.memory_space<vmem>>
      %dma_start3A_244 = arith.constant 0 : i32
      %dma_start3A_245 = arith.constant 0 : i32
      %dma_start3A_246 = tpu.memref_slice %arg5[%add3A_145, %dma_start3A_240, %add3A, %dma_start3A_244, %dma_start3A_245] : memref<200x4x32x8x128xf32, #tpu.memory_space<hbm>> -> memref<1x1x1x8x128xf32, #tpu.memory_space<hbm>>
      %dma_start3A_247 = tpu.memref_squeeze %dma_start3A_246 : memref<1x1x1x8x128xf32, #tpu.memory_space<hbm>> -> memref<8x128xf32, #tpu.memory_space<hbm>>
      %dma_start3A_248 = arith.constant 0 : i32
      %dma_start3A_249 = arith.constant 0 : i32
      %dma_start3A_250 = tpu.memref_slice %arg5[%add3A_145, %dma_start3A_240, %add3A, %dma_start3A_248, %dma_start3A_249] : memref<200x4x32x8x128xf32, #tpu.memory_space<hbm>> -> memref<1x1x1x8x128xf32, #tpu.memory_space<hbm>>
      %dma_start3A_251 = tpu.memref_squeeze %dma_start3A_250 : memref<1x1x1x8x128xf32, #tpu.memory_space<hbm>> -> memref<8x128xf32, #tpu.memory_space<hbm>>
      %dma_start3A_252 = arith.constant 0 : i32
      %dma_start3A_253 = arith.constant 0 : i32
      %dma_start3A_254 = tpu.memref_slice %arg10[%dma_start3A_252, %dma_start3A_253] : memref<32x128xf32, #tpu.memory_space<vmem>> -> memref<8x128xf32, #tpu.memory_space<vmem>>
      tpu.enqueue_dma source(%dma_start3A_254 : memref<8x128xf32, #tpu.memory_space<vmem>>) target(%dma_start3A_251 : memref<8x128xf32, #tpu.memory_space<hbm>>) target_semaphore(%arg14 : memref<!tpu.dma_semaphore, #tpu.memory_space<semaphore_mem>>)
      %dma_start3A_255 = arith.constant 1 : i32
      %dma_start3A_256 = arith.constant 8 : i32
      %dma_start3A_257 = arith.constant 0 : i32
      %dma_start3A_258 = tpu.memref_slice %arg10[%dma_start3A_256, %dma_start3A_257] : memref<32x128xf32, #tpu.memory_space<vmem>> -> memref<8x128xf32, #tpu.memory_space<vmem>>
      %dma_start3A_259 = arith.constant 0 : i32
      %dma_start3A_260 = arith.constant 0 : i32
      %dma_start3A_261 = tpu.memref_slice %arg5[%add3A_145, %dma_start3A_255, %add3A, %dma_start3A_259, %dma_start3A_260] : memref<200x4x32x8x128xf32, #tpu.memory_space<hbm>> -> memref<1x1x1x8x128xf32, #tpu.memory_space<hbm>>
      %dma_start3A_262 = tpu.memref_squeeze %dma_start3A_261 : memref<1x1x1x8x128xf32, #tpu.memory_space<hbm>> -> memref<8x128xf32, #tpu.memory_space<hbm>>
      %dma_start3A_263 = arith.constant 0 : i32
      %dma_start3A_264 = arith.constant 0 : i32
      %dma_start3A_265 = tpu.memref_slice %arg5[%add3A_145, %dma_start3A_255, %add3A, %dma_start3A_263, %dma_start3A_264] : memref<200x4x32x8x128xf32, #tpu.memory_space<hbm>> -> memref<1x1x1x8x128xf32, #tpu.memory_space<hbm>>
      %dma_start3A_266 = tpu.memref_squeeze %dma_start3A_265 : memref<1x1x1x8x128xf32, #tpu.memory_space<hbm>> -> memref<8x128xf32, #tpu.memory_space<hbm>>
      %dma_start3A_267 = arith.constant 8 : i32
      %dma_start3A_268 = arith.constant 0 : i32
      %dma_start3A_269 = tpu.memref_slice %arg10[%dma_start3A_267, %dma_start3A_268] : memref<32x128xf32, #tpu.memory_space<vmem>> -> memref<8x128xf32, #tpu.memory_space<vmem>>
      tpu.enqueue_dma source(%dma_start3A_269 : memref<8x128xf32, #tpu.memory_space<vmem>>) target(%dma_start3A_266 : memref<8x128xf32, #tpu.memory_space<hbm>>) target_semaphore(%arg14 : memref<!tpu.dma_semaphore, #tpu.memory_space<semaphore_mem>>)
      %dma_start3A_270 = arith.constant 2 : i32
      %dma_start3A_271 = arith.constant 16 : i32
      %dma_start3A_272 = arith.constant 0 : i32
      %dma_start3A_273 = tpu.memref_slice %arg10[%dma_start3A_271, %dma_start3A_272] : memref<32x128xf32, #tpu.memory_space<vmem>> -> memref<8x128xf32, #tpu.memory_space<vmem>>
      %dma_start3A_274 = arith.constant 0 : i32
      %dma_start3A_275 = arith.constant 0 : i32
      %dma_start3A_276 = tpu.memref_slice %arg5[%add3A_145, %dma_start3A_270, %add3A, %dma_start3A_274, %dma_start3A_275] : memref<200x4x32x8x128xf32, #tpu.memory_space<hbm>> -> memref<1x1x1x8x128xf32, #tpu.memory_space<hbm>>
      %dma_start3A_277 = tpu.memref_squeeze %dma_start3A_276 : memref<1x1x1x8x128xf32, #tpu.memory_space<hbm>> -> memref<8x128xf32, #tpu.memory_space<hbm>>
      %dma_start3A_278 = arith.constant 0 : i32
      %dma_start3A_279 = arith.constant 0 : i32
      %dma_start3A_280 = tpu.memref_slice %arg5[%add3A_145, %dma_start3A_270, %add3A, %dma_start3A_278, %dma_start3A_279] : memref<200x4x32x8x128xf32, #tpu.memory_space<hbm>> -> memref<1x1x1x8x128xf32, #tpu.memory_space<hbm>>
      %dma_start3A_281 = tpu.memref_squeeze %dma_start3A_280 : memref<1x1x1x8x128xf32, #tpu.memory_space<hbm>> -> memref<8x128xf32, #tpu.memory_space<hbm>>
      %dma_start3A_282 = arith.constant 16 : i32
      %dma_start3A_283 = arith.constant 0 : i32
      %dma_start3A_284 = tpu.memref_slice %arg10[%dma_start3A_282, %dma_start3A_283] : memref<32x128xf32, #tpu.memory_space<vmem>> -> memref<8x128xf32, #tpu.memory_space<vmem>>
      tpu.enqueue_dma source(%dma_start3A_284 : memref<8x128xf32, #tpu.memory_space<vmem>>) target(%dma_start3A_281 : memref<8x128xf32, #tpu.memory_space<hbm>>) target_semaphore(%arg14 : memref<!tpu.dma_semaphore, #tpu.memory_space<semaphore_mem>>)
      %dma_start3A_285 = arith.constant 3 : i32
      %dma_start3A_286 = arith.constant 24 : i32
      %dma_start3A_287 = arith.constant 0 : i32
      %dma_start3A_288 = tpu.memref_slice %arg10[%dma_start3A_286, %dma_start3A_287] : memref<32x128xf32, #tpu.memory_space<vmem>> -> memref<8x128xf32, #tpu.memory_space<vmem>>
      %dma_start3A_289 = arith.constant 0 : i32
      %dma_start3A_290 = arith.constant 0 : i32
      %dma_start3A_291 = tpu.memref_slice %arg5[%add3A_145, %dma_start3A_285, %add3A, %dma_start3A_289, %dma_start3A_290] : memref<200x4x32x8x128xf32, #tpu.memory_space<hbm>> -> memref<1x1x1x8x128xf32, #tpu.memory_space<hbm>>
      %dma_start3A_292 = tpu.memref_squeeze %dma_start3A_291 : memref<1x1x1x8x128xf32, #tpu.memory_space<hbm>> -> memref<8x128xf32, #tpu.memory_space<hbm>>
      %dma_start3A_293 = arith.constant 0 : i32
      %dma_start3A_294 = arith.constant 0 : i32
      %dma_start3A_295 = tpu.memref_slice %arg5[%add3A_145, %dma_start3A_285, %add3A, %dma_start3A_293, %dma_start3A_294] : memref<200x4x32x8x128xf32, #tpu.memory_space<hbm>> -> memref<1x1x1x8x128xf32, #tpu.memory_space<hbm>>
      %dma_start3A_296 = tpu.memref_squeeze %dma_start3A_295 : memref<1x1x1x8x128xf32, #tpu.memory_space<hbm>> -> memref<8x128xf32, #tpu.memory_space<hbm>>
      %dma_start3A_297 = arith.constant 24 : i32
      %dma_start3A_298 = arith.constant 0 : i32
      %dma_start3A_299 = tpu.memref_slice %arg10[%dma_start3A_297, %dma_start3A_298] : memref<32x128xf32, #tpu.memory_space<vmem>> -> memref<8x128xf32, #tpu.memory_space<vmem>>
      tpu.enqueue_dma source(%dma_start3A_299 : memref<8x128xf32, #tpu.memory_space<vmem>>) target(%dma_start3A_296 : memref<8x128xf32, #tpu.memory_space<hbm>>) target_semaphore(%arg14 : memref<!tpu.dma_semaphore, #tpu.memory_space<semaphore_mem>>)
      %mul3A_300 = arith.constant 2 : i32
      %mul3A_301 = arith.muli %scan3A_141, %mul3A_300 : i32
      %add3A_302 = arith.constant 1 : i32
      %add3A_303 = arith.addi %mul3A_301, %add3A_302 : i32
      %add3A_304 = arith.constant 1 : i32
      %add3A_305 = arith.addi %add3A_303, %add3A_304 : i32
      %lt3A_306 = arith.constant 99 : i32
      %lt3A_307 = arith.cmpi slt, %scan3A_141, %lt3A_306 : i32
      %convert_element_type3A_308 = arith.extui %lt3A_307 : i1 to i32
      %cond3A_309 = arith.constant 0 : i32
      %cond3A_310 = arith.cmpi ne, %convert_element_type3A_308, %cond3A_309 : i32
      scf.if %cond3A_310 {
        %jit3A_429 = arith.constant 8 : i32
        %div3A_430 = arith.divsi %add3A_305, %jit3A_429 : i32
        %sign3A_431 = arith.constant 0 : i32
        %sign3A_432 = arith.cmpi sgt, %add3A_305, %sign3A_431 : i32
        %sign3A_433 = arith.extui %sign3A_432 : i1 to i32
        %sign3A_434 = arith.constant 0 : i32
        %sign3A_435 = arith.cmpi slt, %add3A_305, %sign3A_434 : i32
        %sign3A_436 = arith.extui %sign3A_435 : i1 to i32
        %sign3A_437 = arith.subi %sign3A_433, %sign3A_436 : i32
        %sign3A_438 = arith.constant 0 : i32
        %sign3A_439 = arith.cmpi sgt, %jit3A_429, %sign3A_438 : i32
        %sign3A_440 = arith.extui %sign3A_439 : i1 to i32
        %sign3A_441 = arith.constant 0 : i32
        %sign3A_442 = arith.cmpi slt, %jit3A_429, %sign3A_441 : i32
        %sign3A_443 = arith.extui %sign3A_442 : i1 to i32
        %sign3A_444 = arith.subi %sign3A_440, %sign3A_443 : i32
        %ne3A_445 = arith.cmpi ne, %sign3A_437, %sign3A_444 : i32
        %rem3A_446 = arith.remsi %add3A_305, %jit3A_429 : i32
        %ne3A_447 = arith.constant 0 : i32
        %ne3A_448 = arith.cmpi ne, %rem3A_446, %ne3A_447 : i32
        %and3A_449 = arith.andi %ne3A_445, %ne3A_448 : i1
        %sub3A_450 = arith.constant 1 : i32
        %sub3A_451 = arith.subi %div3A_430, %sub3A_450 : i32
        %select_n3A_452 = arith.select %and3A_449, %sub3A_451, %div3A_430 : i32
        %jit3A_453 = arith.constant 8 : i32
        %eq3A_454 = arith.constant 0 : i32
        %eq3A_455 = arith.cmpi eq, %jit3A_453, %eq3A_454 : i32
        %jit3A_456 = arith.constant 1 : i32
        %select_n3A_457 = arith.select %eq3A_455, %jit3A_456, %jit3A_453 : i32
        %rem3A_458 = arith.remsi %add3A_305, %select_n3A_457 : i32
        %ne3A_459 = arith.constant 0 : i32
        %ne3A_460 = arith.cmpi ne, %rem3A_458, %ne3A_459 : i32
        %lt3A_461 = arith.constant 0 : i32
        %lt3A_462 = arith.cmpi slt, %rem3A_458, %lt3A_461 : i32
        %lt3A_463 = arith.constant 0 : i32
        %lt3A_464 = arith.cmpi slt, %select_n3A_457, %lt3A_463 : i32
        %ne3A_465 = arith.xori %lt3A_462, %lt3A_464 : i1
        %and3A_466 = arith.andi %ne3A_465, %ne3A_460 : i1
        %add3A_467 = arith.addi %rem3A_458, %select_n3A_457 : i32
        %select_n3A_468 = arith.select %and3A_466, %add3A_467, %rem3A_458 : i32
        %dma_start3A_469 = arith.constant 0 : i32
        %dma_start3A_470 = arith.constant 0 : i32
        %dma_start3A_471 = tpu.memref_slice %arg6[%select_n3A_452, %dma_start3A_469, %select_n3A_468, %dma_start3A_470] : memref<25x1x8x128xi32, #tpu.memory_space<vmem>> -> memref<1x1x1x128xi32, #tpu.memory_space<vmem>>
        %dma_start3A_472 = tpu.memref_squeeze %dma_start3A_471 : memref<1x1x1x128xi32, #tpu.memory_space<vmem>> -> memref<128xi32, #tpu.memory_space<vmem>>
        %dma_start3A_473 = arith.constant 0 : i32
        %dma_start3A_474 = arith.constant 0 : i32
        %dma_start3A_475 = tpu.memref_slice %arg3[%dma_start3A_473, %dma_start3A_474] : memref<1000000x32xf32, #tpu.memory_space<hbm>> -> memref<1000000x32xf32, #tpu.memory_space<hbm>>
        tpu.enqueue_indirect_dma source(%dma_start3A_475 : memref<1000000x32xf32, #tpu.memory_space<hbm>>) target(%arg8 : memref<128x32xf32, #tpu.memory_space<vmem>>) offsets(%dma_start3A_472 : memref<128xi32, #tpu.memory_space<vmem>>) semaphore(%arg12 : memref<!tpu.dma_semaphore, #tpu.memory_space<semaphore_mem>>)
      } else {
      }
      %gt3A_311 = arith.constant 0 : i32
      %gt3A_312 = arith.cmpi sgt, %scan3A_141, %gt3A_311 : i32
      %convert_element_type3A_313 = arith.extui %gt3A_312 : i1 to i32
      %cond3A_314 = arith.constant 0 : i32
      %cond3A_315 = arith.cmpi ne, %convert_element_type3A_313, %cond3A_314 : i32
      scf.if %cond3A_315 {
        %dma_wait3A_429 = arith.constant 0 : i32
        %dma_wait3A_430 = arith.constant 0 : i32
        %dma_wait3A_431 = arith.constant 0 : i32
        %dma_wait3A_432 = tpu.memref_slice %arg11[%dma_wait3A_430, %dma_wait3A_431] : memref<32x128xf32, #tpu.memory_space<vmem>> -> memref<8x128xf32, #tpu.memory_space<vmem>>
        %dma_wait3A_433 = arith.constant 0 : i32
        %dma_wait3A_434 = arith.constant 0 : i32
        %dma_wait3A_435 = tpu.memref_slice %arg5[%add3A_303, %dma_wait3A_429, %add3A, %dma_wait3A_433, %dma_wait3A_434] : memref<200x4x32x8x128xf32, #tpu.memory_space<hbm>> -> memref<1x1x1x8x128xf32, #tpu.memory_space<hbm>>
        %dma_wait3A_436 = tpu.memref_squeeze %dma_wait3A_435 : memref<1x1x1x8x128xf32, #tpu.memory_space<hbm>> -> memref<8x128xf32, #tpu.memory_space<hbm>>
        %dma_wait3A_437 = arith.constant 0 : i32
        %dma_wait3A_438 = arith.constant 0 : i32
        %dma_wait3A_439 = tpu.memref_slice %arg5[%add3A_303, %dma_wait3A_429, %add3A, %dma_wait3A_437, %dma_wait3A_438] : memref<200x4x32x8x128xf32, #tpu.memory_space<hbm>> -> memref<1x1x1x8x128xf32, #tpu.memory_space<hbm>>
        %dma_wait3A_440 = tpu.memref_squeeze %dma_wait3A_439 : memref<1x1x1x8x128xf32, #tpu.memory_space<hbm>> -> memref<8x128xf32, #tpu.memory_space<hbm>>
        %dma_wait3A_441 = arith.constant 0 : i32
        %dma_wait3A_442 = arith.constant 0 : i32
        %dma_wait3A_443 = tpu.memref_slice %arg11[%dma_wait3A_441, %dma_wait3A_442] : memref<32x128xf32, #tpu.memory_space<vmem>> -> memref<8x128xf32, #tpu.memory_space<vmem>>
        tpu.wait_dma2 semaphore(%arg15 : memref<!tpu.dma_semaphore, #tpu.memory_space<semaphore_mem>>) src(%dma_wait3A_443 : memref<8x128xf32, #tpu.memory_space<vmem>>) dst(%dma_wait3A_440 : memref<8x128xf32, #tpu.memory_space<hbm>>)
        %dma_wait3A_444 = arith.constant 1 : i32
        %dma_wait3A_445 = arith.constant 8 : i32
        %dma_wait3A_446 = arith.constant 0 : i32
        %dma_wait3A_447 = tpu.memref_slice %arg11[%dma_wait3A_445, %dma_wait3A_446] : memref<32x128xf32, #tpu.memory_space<vmem>> -> memref<8x128xf32, #tpu.memory_space<vmem>>
        %dma_wait3A_448 = arith.constant 0 : i32
        %dma_wait3A_449 = arith.constant 0 : i32
        %dma_wait3A_450 = tpu.memref_slice %arg5[%add3A_303, %dma_wait3A_444, %add3A, %dma_wait3A_448, %dma_wait3A_449] : memref<200x4x32x8x128xf32, #tpu.memory_space<hbm>> -> memref<1x1x1x8x128xf32, #tpu.memory_space<hbm>>
        %dma_wait3A_451 = tpu.memref_squeeze %dma_wait3A_450 : memref<1x1x1x8x128xf32, #tpu.memory_space<hbm>> -> memref<8x128xf32, #tpu.memory_space<hbm>>
        %dma_wait3A_452 = arith.constant 0 : i32
        %dma_wait3A_453 = arith.constant 0 : i32
        %dma_wait3A_454 = tpu.memref_slice %arg5[%add3A_303, %dma_wait3A_444, %add3A, %dma_wait3A_452, %dma_wait3A_453] : memref<200x4x32x8x128xf32, #tpu.memory_space<hbm>> -> memref<1x1x1x8x128xf32, #tpu.memory_space<hbm>>
        %dma_wait3A_455 = tpu.memref_squeeze %dma_wait3A_454 : memref<1x1x1x8x128xf32, #tpu.memory_space<hbm>> -> memref<8x128xf32, #tpu.memory_space<hbm>>
        %dma_wait3A_456 = arith.constant 8 : i32
        %dma_wait3A_457 = arith.constant 0 : i32
        %dma_wait3A_458 = tpu.memref_slice %arg11[%dma_wait3A_456, %dma_wait3A_457] : memref<32x128xf32, #tpu.memory_space<vmem>> -> memref<8x128xf32, #tpu.memory_space<vmem>>
        tpu.wait_dma2 semaphore(%arg15 : memref<!tpu.dma_semaphore, #tpu.memory_space<semaphore_mem>>) src(%dma_wait3A_458 : memref<8x128xf32, #tpu.memory_space<vmem>>) dst(%dma_wait3A_455 : memref<8x128xf32, #tpu.memory_space<hbm>>)
        %dma_wait3A_459 = arith.constant 2 : i32
        %dma_wait3A_460 = arith.constant 16 : i32
        %dma_wait3A_461 = arith.constant 0 : i32
        %dma_wait3A_462 = tpu.memref_slice %arg11[%dma_wait3A_460, %dma_wait3A_461] : memref<32x128xf32, #tpu.memory_space<vmem>> -> memref<8x128xf32, #tpu.memory_space<vmem>>
        %dma_wait3A_463 = arith.constant 0 : i32
        %dma_wait3A_464 = arith.constant 0 : i32
        %dma_wait3A_465 = tpu.memref_slice %arg5[%add3A_303, %dma_wait3A_459, %add3A, %dma_wait3A_463, %dma_wait3A_464] : memref<200x4x32x8x128xf32, #tpu.memory_space<hbm>> -> memref<1x1x1x8x128xf32, #tpu.memory_space<hbm>>
        %dma_wait3A_466 = tpu.memref_squeeze %dma_wait3A_465 : memref<1x1x1x8x128xf32, #tpu.memory_space<hbm>> -> memref<8x128xf32, #tpu.memory_space<hbm>>
        %dma_wait3A_467 = arith.constant 0 : i32
        %dma_wait3A_468 = arith.constant 0 : i32
        %dma_wait3A_469 = tpu.memref_slice %arg5[%add3A_303, %dma_wait3A_459, %add3A, %dma_wait3A_467, %dma_wait3A_468] : memref<200x4x32x8x128xf32, #tpu.memory_space<hbm>> -> memref<1x1x1x8x128xf32, #tpu.memory_space<hbm>>
        %dma_wait3A_470 = tpu.memref_squeeze %dma_wait3A_469 : memref<1x1x1x8x128xf32, #tpu.memory_space<hbm>> -> memref<8x128xf32, #tpu.memory_space<hbm>>
        %dma_wait3A_471 = arith.constant 16 : i32
        %dma_wait3A_472 = arith.constant 0 : i32
        %dma_wait3A_473 = tpu.memref_slice %arg11[%dma_wait3A_471, %dma_wait3A_472] : memref<32x128xf32, #tpu.memory_space<vmem>> -> memref<8x128xf32, #tpu.memory_space<vmem>>
        tpu.wait_dma2 semaphore(%arg15 : memref<!tpu.dma_semaphore, #tpu.memory_space<semaphore_mem>>) src(%dma_wait3A_473 : memref<8x128xf32, #tpu.memory_space<vmem>>) dst(%dma_wait3A_470 : memref<8x128xf32, #tpu.memory_space<hbm>>)
        %dma_wait3A_474 = arith.constant 3 : i32
        %dma_wait3A_475 = arith.constant 24 : i32
        %dma_wait3A_476 = arith.constant 0 : i32
        %dma_wait3A_477 = tpu.memref_slice %arg11[%dma_wait3A_475, %dma_wait3A_476] : memref<32x128xf32, #tpu.memory_space<vmem>> -> memref<8x128xf32, #tpu.memory_space<vmem>>
        %dma_wait3A_478 = arith.constant 0 : i32
        %dma_wait3A_479 = arith.constant 0 : i32
        %dma_wait3A_480 = tpu.memref_slice %arg5[%add3A_303, %dma_wait3A_474, %add3A, %dma_wait3A_478, %dma_wait3A_479] : memref<200x4x32x8x128xf32, #tpu.memory_space<hbm>> -> memref<1x1x1x8x128xf32, #tpu.memory_space<hbm>>
        %dma_wait3A_481 = tpu.memref_squeeze %dma_wait3A_480 : memref<1x1x1x8x128xf32, #tpu.memory_space<hbm>> -> memref<8x128xf32, #tpu.memory_space<hbm>>
        %dma_wait3A_482 = arith.constant 0 : i32
        %dma_wait3A_483 = arith.constant 0 : i32
        %dma_wait3A_484 = tpu.memref_slice %arg5[%add3A_303, %dma_wait3A_474, %add3A, %dma_wait3A_482, %dma_wait3A_483] : memref<200x4x32x8x128xf32, #tpu.memory_space<hbm>> -> memref<1x1x1x8x128xf32, #tpu.memory_space<hbm>>
        %dma_wait3A_485 = tpu.memref_squeeze %dma_wait3A_484 : memref<1x1x1x8x128xf32, #tpu.memory_space<hbm>> -> memref<8x128xf32, #tpu.memory_space<hbm>>
        %dma_wait3A_486 = arith.constant 24 : i32
        %dma_wait3A_487 = arith.constant 0 : i32
        %dma_wait3A_488 = tpu.memref_slice %arg11[%dma_wait3A_486, %dma_wait3A_487] : memref<32x128xf32, #tpu.memory_space<vmem>> -> memref<8x128xf32, #tpu.memory_space<vmem>>
        tpu.wait_dma2 semaphore(%arg15 : memref<!tpu.dma_semaphore, #tpu.memory_space<semaphore_mem>>) src(%dma_wait3A_488 : memref<8x128xf32, #tpu.memory_space<vmem>>) dst(%dma_wait3A_485 : memref<8x128xf32, #tpu.memory_space<hbm>>)
      } else {
      }
      %jit3A_316 = arith.constant 8 : i32
      %div3A_317 = arith.divsi %add3A_303, %jit3A_316 : i32
      %sign3A_318 = arith.constant 0 : i32
      %sign3A_319 = arith.cmpi sgt, %add3A_303, %sign3A_318 : i32
      %sign3A_320 = arith.extui %sign3A_319 : i1 to i32
      %sign3A_321 = arith.constant 0 : i32
      %sign3A_322 = arith.cmpi slt, %add3A_303, %sign3A_321 : i32
      %sign3A_323 = arith.extui %sign3A_322 : i1 to i32
      %sign3A_324 = arith.subi %sign3A_320, %sign3A_323 : i32
      %sign3A_325 = arith.constant 0 : i32
      %sign3A_326 = arith.cmpi sgt, %jit3A_316, %sign3A_325 : i32
      %sign3A_327 = arith.extui %sign3A_326 : i1 to i32
      %sign3A_328 = arith.constant 0 : i32
      %sign3A_329 = arith.cmpi slt, %jit3A_316, %sign3A_328 : i32
      %sign3A_330 = arith.extui %sign3A_329 : i1 to i32
      %sign3A_331 = arith.subi %sign3A_327, %sign3A_330 : i32
      %ne3A_332 = arith.cmpi ne, %sign3A_324, %sign3A_331 : i32
      %rem3A_333 = arith.remsi %add3A_303, %jit3A_316 : i32
      %ne3A_334 = arith.constant 0 : i32
      %ne3A_335 = arith.cmpi ne, %rem3A_333, %ne3A_334 : i32
      %and3A_336 = arith.andi %ne3A_332, %ne3A_335 : i1
      %sub3A_337 = arith.constant 1 : i32
      %sub3A_338 = arith.subi %div3A_317, %sub3A_337 : i32
      %select_n3A_339 = arith.select %and3A_336, %sub3A_338, %div3A_317 : i32
      %jit3A_340 = arith.constant 8 : i32
      %eq3A_341 = arith.constant 0 : i32
      %eq3A_342 = arith.cmpi eq, %jit3A_340, %eq3A_341 : i32
      %jit3A_343 = arith.constant 1 : i32
      %select_n3A_344 = arith.select %eq3A_342, %jit3A_343, %jit3A_340 : i32
      %rem3A_345 = arith.remsi %add3A_303, %select_n3A_344 : i32
      %ne3A_346 = arith.constant 0 : i32
      %ne3A_347 = arith.cmpi ne, %rem3A_345, %ne3A_346 : i32
      %lt3A_348 = arith.constant 0 : i32
      %lt3A_349 = arith.cmpi slt, %rem3A_345, %lt3A_348 : i32
      %lt3A_350 = arith.constant 0 : i32
      %lt3A_351 = arith.cmpi slt, %select_n3A_344, %lt3A_350 : i32
      %ne3A_352 = arith.xori %lt3A_349, %lt3A_351 : i1
      %and3A_353 = arith.andi %ne3A_352, %ne3A_347 : i1
      %add3A_354 = arith.addi %rem3A_345, %select_n3A_344 : i32
      %select_n3A_355 = arith.select %and3A_353, %add3A_354, %rem3A_345 : i32
      %dma_wait3A_356 = arith.constant 0 : i32
      %dma_wait3A_357 = arith.constant 0 : i32
      %dma_wait3A_358 = tpu.memref_slice %arg6[%select_n3A_339, %dma_wait3A_356, %select_n3A_355, %dma_wait3A_357] : memref<25x1x8x128xi32, #tpu.memory_space<vmem>> -> memref<1x1x1x128xi32, #tpu.memory_space<vmem>>
      %dma_wait3A_359 = tpu.memref_squeeze %dma_wait3A_358 : memref<1x1x1x128xi32, #tpu.memory_space<vmem>> -> memref<128xi32, #tpu.memory_space<vmem>>
      %dma_wait3A_360 = arith.constant 0 : i32
      %dma_wait3A_361 = arith.constant 0 : i32
      %dma_wait3A_362 = tpu.memref_slice %arg3[%dma_wait3A_360, %dma_wait3A_361] : memref<1000000x32xf32, #tpu.memory_space<hbm>> -> memref<1000000x32xf32, #tpu.memory_space<hbm>>
      tpu.wait_indirect_dma semaphore(%arg13 : memref<!tpu.dma_semaphore, #tpu.memory_space<semaphore_mem>>) src(%dma_wait3A_362 : memref<1000000x32xf32, #tpu.memory_space<hbm>>) dst(%arg9 : memref<128x32xf32, #tpu.memory_space<vmem>>)
      %scan3A_363 = arith.constant 0 : i32
      %scan3A_364 = arith.constant 0 : i32
      %scan3A_365 = arith.constant 8 : i32
      %scan3A_366 = arith.addi %scan3A_364, %scan3A_365 : i32
      %scan3A_367 = arith.constant 1 : i32
      scf.for %scan3A_429 = %scan3A_364 to %scan3A_366 step %scan3A_367  : i32 {
        %mul3A_430 = arith.constant 16 : i32
        %mul3A_431 = arith.muli %scan3A_429, %mul3A_430 : i32
        %get3A = arith.index_cast %add3A_303 : i32 to index
        %get3A_432 = arith.constant 0 : index
        %get3A_433 = tpu.vector_load %arg7[%get3A, %get3A_432] {strides = array<i32>} : memref<200x32xf32, #tpu.memory_space<vmem>>, vector<16xf32>,
        %get3A_434 = arith.index_cast %add3A_303 : i32 to index
        %get3A_435 = arith.constant 16 : index
        %get3A_436 = tpu.vector_load %arg7[%get3A_434, %get3A_435] {strides = array<i32>} : memref<200x32xf32, #tpu.memory_space<vmem>>, vector<16xf32>,
        %add3A_437 = arith.constant 0 : i32
        %add3A_438 = arith.addi %mul3A_431, %add3A_437 : i32
        %broadcast_in_dim3A = arith.constant 0 : i32
        %broadcast_in_dim3A_439 = vector.broadcast %broadcast_in_dim3A : i32 to vector<16xi32>
        %add3A_440 = vector.broadcast %add3A_438 : i32 to vector<16xi32>
        %add3A_441 = arith.addi %broadcast_in_dim3A_439, %add3A_440 : vector<16xi32>
        %get3A_442 = arith.index_cast %add3A_438 : i32 to index
        %get3A_443 = arith.constant 0 : index
        %get3A_444 = tpu.vector_load %arg9[%get3A_442, %get3A_443] {strides = array<i32>} : memref<128x32xf32, #tpu.memory_space<vmem>>, vector<16xf32>,
        %add3A_445 = arith.addf %get3A_444, %get3A_433 : vector<16xf32>
        %get3A_446 = arith.index_cast %add3A_438 : i32 to index
        %get3A_447 = arith.constant 16 : index
        %get3A_448 = tpu.vector_load %arg9[%get3A_446, %get3A_447] {strides = array<i32>} : memref<128x32xf32, #tpu.memory_space<vmem>>, vector<16xf32>,
        %add3A_449 = arith.addf %get3A_448, %get3A_436 : vector<16xf32>
        tpu.vector_store_idx %arg11[%iota3A, %add3A_441], %add3A_445 : memref<32x128xf32, #tpu.memory_space<vmem>>[vector<16xi32>, vector<16xi32>], vector<16xf32>,
        %add3A_450 = arith.constant 16 : i32
        %add3A_451 = vector.broadcast %add3A_450 : i32 to vector<16xi32>
        %add3A_452 = arith.addi %iota3A, %add3A_451 : vector<16xi32>
        tpu.vector_store_idx %arg11[%add3A_452, %add3A_441], %add3A_449 : memref<32x128xf32, #tpu.memory_space<vmem>>[vector<16xi32>, vector<16xi32>], vector<16xf32>,
        %add3A_453 = arith.constant 1 : i32
        %add3A_454 = arith.addi %mul3A_431, %add3A_453 : i32
        %broadcast_in_dim3A_455 = arith.constant 0 : i32
        %broadcast_in_dim3A_456 = vector.broadcast %broadcast_in_dim3A_455 : i32 to vector<16xi32>
        %add3A_457 = vector.broadcast %add3A_454 : i32 to vector<16xi32>
        %add3A_458 = arith.addi %broadcast_in_dim3A_456, %add3A_457 : vector<16xi32>
        %get3A_459 = arith.index_cast %add3A_454 : i32 to index
        %get3A_460 = arith.constant 0 : index
        %get3A_461 = tpu.vector_load %arg9[%get3A_459, %get3A_460] {strides = array<i32>} : memref<128x32xf32, #tpu.memory_space<vmem>>, vector<16xf32>,
        %add3A_462 = arith.addf %get3A_461, %get3A_433 : vector<16xf32>
        %get3A_463 = arith.index_cast %add3A_454 : i32 to index
        %get3A_464 = arith.constant 16 : index
        %get3A_465 = tpu.vector_load %arg9[%get3A_463, %get3A_464] {strides = array<i32>} : memref<128x32xf32, #tpu.memory_space<vmem>>, vector<16xf32>,
        %add3A_466 = arith.addf %get3A_465, %get3A_436 : vector<16xf32>
        tpu.vector_store_idx %arg11[%iota3A, %add3A_458], %add3A_462 : memref<32x128xf32, #tpu.memory_space<vmem>>[vector<16xi32>, vector<16xi32>], vector<16xf32>,
        %add3A_467 = arith.constant 16 : i32
        %add3A_468 = vector.broadcast %add3A_467 : i32 to vector<16xi32>
        %add3A_469 = arith.addi %iota3A, %add3A_468 : vector<16xi32>
        tpu.vector_store_idx %arg11[%add3A_469, %add3A_458], %add3A_466 : memref<32x128xf32, #tpu.memory_space<vmem>>[vector<16xi32>, vector<16xi32>], vector<16xf32>,
        %add3A_470 = arith.constant 2 : i32
        %add3A_471 = arith.addi %mul3A_431, %add3A_470 : i32
        %broadcast_in_dim3A_472 = arith.constant 0 : i32
        %broadcast_in_dim3A_473 = vector.broadcast %broadcast_in_dim3A_472 : i32 to vector<16xi32>
        %add3A_474 = vector.broadcast %add3A_471 : i32 to vector<16xi32>
        %add3A_475 = arith.addi %broadcast_in_dim3A_473, %add3A_474 : vector<16xi32>
        %get3A_476 = arith.index_cast %add3A_471 : i32 to index
        %get3A_477 = arith.constant 0 : index
        %get3A_478 = tpu.vector_load %arg9[%get3A_476, %get3A_477] {strides = array<i32>} : memref<128x32xf32, #tpu.memory_space<vmem>>, vector<16xf32>,
        %add3A_479 = arith.addf %get3A_478, %get3A_433 : vector<16xf32>
        %get3A_480 = arith.index_cast %add3A_471 : i32 to index
        %get3A_481 = arith.constant 16 : index
        %get3A_482 = tpu.vector_load %arg9[%get3A_480, %get3A_481] {strides = array<i32>} : memref<128x32xf32, #tpu.memory_space<vmem>>, vector<16xf32>,
        %add3A_483 = arith.addf %get3A_482, %get3A_436 : vector<16xf32>
        tpu.vector_store_idx %arg11[%iota3A, %add3A_475], %add3A_479 : memref<32x128xf32, #tpu.memory_space<vmem>>[vector<16xi32>, vector<16xi32>], vector<16xf32>,
        %add3A_484 = arith.constant 16 : i32
        %add3A_485 = vector.broadcast %add3A_484 : i32 to vector<16xi32>
        %add3A_486 = arith.addi %iota3A, %add3A_485 : vector<16xi32>
        tpu.vector_store_idx %arg11[%add3A_486, %add3A_475], %add3A_483 : memref<32x128xf32, #tpu.memory_space<vmem>>[vector<16xi32>, vector<16xi32>], vector<16xf32>,
        %add3A_487 = arith.constant 3 : i32
        %add3A_488 = arith.addi %mul3A_431, %add3A_487 : i32
        %broadcast_in_dim3A_489 = arith.constant 0 : i32
        %broadcast_in_dim3A_490 = vector.broadcast %broadcast_in_dim3A_489 : i32 to vector<16xi32>
        %add3A_491 = vector.broadcast %add3A_488 : i32 to vector<16xi32>
        %add3A_492 = arith.addi %broadcast_in_dim3A_490, %add3A_491 : vector<16xi32>
        %get3A_493 = arith.index_cast %add3A_488 : i32 to index
        %get3A_494 = arith.constant 0 : index
        %get3A_495 = tpu.vector_load %arg9[%get3A_493, %get3A_494] {strides = array<i32>} : memref<128x32xf32, #tpu.memory_space<vmem>>, vector<16xf32>,
        %add3A_496 = arith.addf %get3A_495, %get3A_433 : vector<16xf32>
        %get3A_497 = arith.index_cast %add3A_488 : i32 to index
        %get3A_498 = arith.constant 16 : index
        %get3A_499 = tpu.vector_load %arg9[%get3A_497, %get3A_498] {strides = array<i32>} : memref<128x32xf32, #tpu.memory_space<vmem>>, vector<16xf32>,
        %add3A_500 = arith.addf %get3A_499, %get3A_436 : vector<16xf32>
        tpu.vector_store_idx %arg11[%iota3A, %add3A_492], %add3A_496 : memref<32x128xf32, #tpu.memory_space<vmem>>[vector<16xi32>, vector<16xi32>], vector<16xf32>,
        %add3A_501 = arith.constant 16 : i32
        %add3A_502 = vector.broadcast %add3A_501 : i32 to vector<16xi32>
        %add3A_503 = arith.addi %iota3A, %add3A_502 : vector<16xi32>
        tpu.vector_store_idx %arg11[%add3A_503, %add3A_492], %add3A_500 : memref<32x128xf32, #tpu.memory_space<vmem>>[vector<16xi32>, vector<16xi32>], vector<16xf32>,
        %add3A_504 = arith.constant 4 : i32
        %add3A_505 = arith.addi %mul3A_431, %add3A_504 : i32
        %broadcast_in_dim3A_506 = arith.constant 0 : i32
        %broadcast_in_dim3A_507 = vector.broadcast %broadcast_in_dim3A_506 : i32 to vector<16xi32>
        %add3A_508 = vector.broadcast %add3A_505 : i32 to vector<16xi32>
        %add3A_509 = arith.addi %broadcast_in_dim3A_507, %add3A_508 : vector<16xi32>
        %get3A_510 = arith.index_cast %add3A_505 : i32 to index
        %get3A_511 = arith.constant 0 : index
        %get3A_512 = tpu.vector_load %arg9[%get3A_510, %get3A_511] {strides = array<i32>} : memref<128x32xf32, #tpu.memory_space<vmem>>, vector<16xf32>,
        %add3A_513 = arith.addf %get3A_512, %get3A_433 : vector<16xf32>
        %get3A_514 = arith.index_cast %add3A_505 : i32 to index
        %get3A_515 = arith.constant 16 : index
        %get3A_516 = tpu.vector_load %arg9[%get3A_514, %get3A_515] {strides = array<i32>} : memref<128x32xf32, #tpu.memory_space<vmem>>, vector<16xf32>,
        %add3A_517 = arith.addf %get3A_516, %get3A_436 : vector<16xf32>
        tpu.vector_store_idx %arg11[%iota3A, %add3A_509], %add3A_513 : memref<32x128xf32, #tpu.memory_space<vmem>>[vector<16xi32>, vector<16xi32>], vector<16xf32>,
        %add3A_518 = arith.constant 16 : i32
        %add3A_519 = vector.broadcast %add3A_518 : i32 to vector<16xi32>
        %add3A_520 = arith.addi %iota3A, %add3A_519 : vector<16xi32>
        tpu.vector_store_idx %arg11[%add3A_520, %add3A_509], %add3A_517 : memref<32x128xf32, #tpu.memory_space<vmem>>[vector<16xi32>, vector<16xi32>], vector<16xf32>,
        %add3A_521 = arith.constant 5 : i32
        %add3A_522 = arith.addi %mul3A_431, %add3A_521 : i32
        %broadcast_in_dim3A_523 = arith.constant 0 : i32
        %broadcast_in_dim3A_524 = vector.broadcast %broadcast_in_dim3A_523 : i32 to vector<16xi32>
        %add3A_525 = vector.broadcast %add3A_522 : i32 to vector<16xi32>
        %add3A_526 = arith.addi %broadcast_in_dim3A_524, %add3A_525 : vector<16xi32>
        %get3A_527 = arith.index_cast %add3A_522 : i32 to index
        %get3A_528 = arith.constant 0 : index
        %get3A_529 = tpu.vector_load %arg9[%get3A_527, %get3A_528] {strides = array<i32>} : memref<128x32xf32, #tpu.memory_space<vmem>>, vector<16xf32>,
        %add3A_530 = arith.addf %get3A_529, %get3A_433 : vector<16xf32>
        %get3A_531 = arith.index_cast %add3A_522 : i32 to index
        %get3A_532 = arith.constant 16 : index
        %get3A_533 = tpu.vector_load %arg9[%get3A_531, %get3A_532] {strides = array<i32>} : memref<128x32xf32, #tpu.memory_space<vmem>>, vector<16xf32>,
        %add3A_534 = arith.addf %get3A_533, %get3A_436 : vector<16xf32>
        tpu.vector_store_idx %arg11[%iota3A, %add3A_526], %add3A_530 : memref<32x128xf32, #tpu.memory_space<vmem>>[vector<16xi32>, vector<16xi32>], vector<16xf32>,
        %add3A_535 = arith.constant 16 : i32
        %add3A_536 = vector.broadcast %add3A_535 : i32 to vector<16xi32>
        %add3A_537 = arith.addi %iota3A, %add3A_536 : vector<16xi32>
        tpu.vector_store_idx %arg11[%add3A_537, %add3A_526], %add3A_534 : memref<32x128xf32, #tpu.memory_space<vmem>>[vector<16xi32>, vector<16xi32>], vector<16xf32>,
        %add3A_538 = arith.constant 6 : i32
        %add3A_539 = arith.addi %mul3A_431, %add3A_538 : i32
        %broadcast_in_dim3A_540 = arith.constant 0 : i32
        %broadcast_in_dim3A_541 = vector.broadcast %broadcast_in_dim3A_540 : i32 to vector<16xi32>
        %add3A_542 = vector.broadcast %add3A_539 : i32 to vector<16xi32>
        %add3A_543 = arith.addi %broadcast_in_dim3A_541, %add3A_542 : vector<16xi32>
        %get3A_544 = arith.index_cast %add3A_539 : i32 to index
        %get3A_545 = arith.constant 0 : index
        %get3A_546 = tpu.vector_load %arg9[%get3A_544, %get3A_545] {strides = array<i32>} : memref<128x32xf32, #tpu.memory_space<vmem>>, vector<16xf32>,
        %add3A_547 = arith.addf %get3A_546, %get3A_433 : vector<16xf32>
        %get3A_548 = arith.index_cast %add3A_539 : i32 to index
        %get3A_549 = arith.constant 16 : index
        %get3A_550 = tpu.vector_load %arg9[%get3A_548, %get3A_549] {strides = array<i32>} : memref<128x32xf32, #tpu.memory_space<vmem>>, vector<16xf32>,
        %add3A_551 = arith.addf %get3A_550, %get3A_436 : vector<16xf32>
        tpu.vector_store_idx %arg11[%iota3A, %add3A_543], %add3A_547 : memref<32x128xf32, #tpu.memory_space<vmem>>[vector<16xi32>, vector<16xi32>], vector<16xf32>,
        %add3A_552 = arith.constant 16 : i32
        %add3A_553 = vector.broadcast %add3A_552 : i32 to vector<16xi32>
        %add3A_554 = arith.addi %iota3A, %add3A_553 : vector<16xi32>
        tpu.vector_store_idx %arg11[%add3A_554, %add3A_543], %add3A_551 : memref<32x128xf32, #tpu.memory_space<vmem>>[vector<16xi32>, vector<16xi32>], vector<16xf32>,
        %add3A_555 = arith.constant 7 : i32
        %add3A_556 = arith.addi %mul3A_431, %add3A_555 : i32
        %broadcast_in_dim3A_557 = arith.constant 0 : i32
        %broadcast_in_dim3A_558 = vector.broadcast %broadcast_in_dim3A_557 : i32 to vector<16xi32>
        %add3A_559 = vector.broadcast %add3A_556 : i32 to vector<16xi32>
        %add3A_560 = arith.addi %broadcast_in_dim3A_558, %add3A_559 : vector<16xi32>
        %get3A_561 = arith.index_cast %add3A_556 : i32 to index
        %get3A_562 = arith.constant 0 : index
        %get3A_563 = tpu.vector_load %arg9[%get3A_561, %get3A_562] {strides = array<i32>} : memref<128x32xf32, #tpu.memory_space<vmem>>, vector<16xf32>,
        %add3A_564 = arith.addf %get3A_563, %get3A_433 : vector<16xf32>
        %get3A_565 = arith.index_cast %add3A_556 : i32 to index
        %get3A_566 = arith.constant 16 : index
        %get3A_567 = tpu.vector_load %arg9[%get3A_565, %get3A_566] {strides = array<i32>} : memref<128x32xf32, #tpu.memory_space<vmem>>, vector<16xf32>,
        %add3A_568 = arith.addf %get3A_567, %get3A_436 : vector<16xf32>
        tpu.vector_store_idx %arg11[%iota3A, %add3A_560], %add3A_564 : memref<32x128xf32, #tpu.memory_space<vmem>>[vector<16xi32>, vector<16xi32>], vector<16xf32>,
        %add3A_569 = arith.constant 16 : i32
        %add3A_570 = vector.broadcast %add3A_569 : i32 to vector<16xi32>
        %add3A_571 = arith.addi %iota3A, %add3A_570 : vector<16xi32>
        tpu.vector_store_idx %arg11[%add3A_571, %add3A_560], %add3A_568 : memref<32x128xf32, #tpu.memory_space<vmem>>[vector<16xi32>, vector<16xi32>], vector<16xf32>,
        %add3A_572 = arith.constant 8 : i32
        %add3A_573 = arith.addi %mul3A_431, %add3A_572 : i32
        %broadcast_in_dim3A_574 = arith.constant 0 : i32
        %broadcast_in_dim3A_575 = vector.broadcast %broadcast_in_dim3A_574 : i32 to vector<16xi32>
        %add3A_576 = vector.broadcast %add3A_573 : i32 to vector<16xi32>
        %add3A_577 = arith.addi %broadcast_in_dim3A_575, %add3A_576 : vector<16xi32>
        %get3A_578 = arith.index_cast %add3A_573 : i32 to index
        %get3A_579 = arith.constant 0 : index
        %get3A_580 = tpu.vector_load %arg9[%get3A_578, %get3A_579] {strides = array<i32>} : memref<128x32xf32, #tpu.memory_space<vmem>>, vector<16xf32>,
        %add3A_581 = arith.addf %get3A_580, %get3A_433 : vector<16xf32>
        %get3A_582 = arith.index_cast %add3A_573 : i32 to index
        %get3A_583 = arith.constant 16 : index
        %get3A_584 = tpu.vector_load %arg9[%get3A_582, %get3A_583] {strides = array<i32>} : memref<128x32xf32, #tpu.memory_space<vmem>>, vector<16xf32>,
        %add3A_585 = arith.addf %get3A_584, %get3A_436 : vector<16xf32>
        tpu.vector_store_idx %arg11[%iota3A, %add3A_577], %add3A_581 : memref<32x128xf32, #tpu.memory_space<vmem>>[vector<16xi32>, vector<16xi32>], vector<16xf32>,
        %add3A_586 = arith.constant 16 : i32
        %add3A_587 = vector.broadcast %add3A_586 : i32 to vector<16xi32>
        %add3A_588 = arith.addi %iota3A, %add3A_587 : vector<16xi32>
        tpu.vector_store_idx %arg11[%add3A_588, %add3A_577], %add3A_585 : memref<32x128xf32, #tpu.memory_space<vmem>>[vector<16xi32>, vector<16xi32>], vector<16xf32>,
        %add3A_589 = arith.constant 9 : i32
        %add3A_590 = arith.addi %mul3A_431, %add3A_589 : i32
        %broadcast_in_dim3A_591 = arith.constant 0 : i32
        %broadcast_in_dim3A_592 = vector.broadcast %broadcast_in_dim3A_591 : i32 to vector<16xi32>
        %add3A_593 = vector.broadcast %add3A_590 : i32 to vector<16xi32>
        %add3A_594 = arith.addi %broadcast_in_dim3A_592, %add3A_593 : vector<16xi32>
        %get3A_595 = arith.index_cast %add3A_590 : i32 to index
        %get3A_596 = arith.constant 0 : index
        %get3A_597 = tpu.vector_load %arg9[%get3A_595, %get3A_596] {strides = array<i32>} : memref<128x32xf32, #tpu.memory_space<vmem>>, vector<16xf32>,
        %add3A_598 = arith.addf %get3A_597, %get3A_433 : vector<16xf32>
        %get3A_599 = arith.index_cast %add3A_590 : i32 to index
        %get3A_600 = arith.constant 16 : index
        %get3A_601 = tpu.vector_load %arg9[%get3A_599, %get3A_600] {strides = array<i32>} : memref<128x32xf32, #tpu.memory_space<vmem>>, vector<16xf32>,
        %add3A_602 = arith.addf %get3A_601, %get3A_436 : vector<16xf32>
        tpu.vector_store_idx %arg11[%iota3A, %add3A_594], %add3A_598 : memref<32x128xf32, #tpu.memory_space<vmem>>[vector<16xi32>, vector<16xi32>], vector<16xf32>,
        %add3A_603 = arith.constant 16 : i32
        %add3A_604 = vector.broadcast %add3A_603 : i32 to vector<16xi32>
        %add3A_605 = arith.addi %iota3A, %add3A_604 : vector<16xi32>
        tpu.vector_store_idx %arg11[%add3A_605, %add3A_594], %add3A_602 : memref<32x128xf32, #tpu.memory_space<vmem>>[vector<16xi32>, vector<16xi32>], vector<16xf32>,
        %add3A_606 = arith.constant 10 : i32
        %add3A_607 = arith.addi %mul3A_431, %add3A_606 : i32
        %broadcast_in_dim3A_608 = arith.constant 0 : i32
        %broadcast_in_dim3A_609 = vector.broadcast %broadcast_in_dim3A_608 : i32 to vector<16xi32>
        %add3A_610 = vector.broadcast %add3A_607 : i32 to vector<16xi32>
        %add3A_611 = arith.addi %broadcast_in_dim3A_609, %add3A_610 : vector<16xi32>
        %get3A_612 = arith.index_cast %add3A_607 : i32 to index
        %get3A_613 = arith.constant 0 : index
        %get3A_614 = tpu.vector_load %arg9[%get3A_612, %get3A_613] {strides = array<i32>} : memref<128x32xf32, #tpu.memory_space<vmem>>, vector<16xf32>,
        %add3A_615 = arith.addf %get3A_614, %get3A_433 : vector<16xf32>
        %get3A_616 = arith.index_cast %add3A_607 : i32 to index
        %get3A_617 = arith.constant 16 : index
        %get3A_618 = tpu.vector_load %arg9[%get3A_616, %get3A_617] {strides = array<i32>} : memref<128x32xf32, #tpu.memory_space<vmem>>, vector<16xf32>,
        %add3A_619 = arith.addf %get3A_618, %get3A_436 : vector<16xf32>
        tpu.vector_store_idx %arg11[%iota3A, %add3A_611], %add3A_615 : memref<32x128xf32, #tpu.memory_space<vmem>>[vector<16xi32>, vector<16xi32>], vector<16xf32>,
        %add3A_620 = arith.constant 16 : i32
        %add3A_621 = vector.broadcast %add3A_620 : i32 to vector<16xi32>
        %add3A_622 = arith.addi %iota3A, %add3A_621 : vector<16xi32>
        tpu.vector_store_idx %arg11[%add3A_622, %add3A_611], %add3A_619 : memref<32x128xf32, #tpu.memory_space<vmem>>[vector<16xi32>, vector<16xi32>], vector<16xf32>,
        %add3A_623 = arith.constant 11 : i32
        %add3A_624 = arith.addi %mul3A_431, %add3A_623 : i32
        %broadcast_in_dim3A_625 = arith.constant 0 : i32
        %broadcast_in_dim3A_626 = vector.broadcast %broadcast_in_dim3A_625 : i32 to vector<16xi32>
        %add3A_627 = vector.broadcast %add3A_624 : i32 to vector<16xi32>
        %add3A_628 = arith.addi %broadcast_in_dim3A_626, %add3A_627 : vector<16xi32>
        %get3A_629 = arith.index_cast %add3A_624 : i32 to index
        %get3A_630 = arith.constant 0 : index
        %get3A_631 = tpu.vector_load %arg9[%get3A_629, %get3A_630] {strides = array<i32>} : memref<128x32xf32, #tpu.memory_space<vmem>>, vector<16xf32>,
        %add3A_632 = arith.addf %get3A_631, %get3A_433 : vector<16xf32>
        %get3A_633 = arith.index_cast %add3A_624 : i32 to index
        %get3A_634 = arith.constant 16 : index
        %get3A_635 = tpu.vector_load %arg9[%get3A_633, %get3A_634] {strides = array<i32>} : memref<128x32xf32, #tpu.memory_space<vmem>>, vector<16xf32>,
        %add3A_636 = arith.addf %get3A_635, %get3A_436 : vector<16xf32>
        tpu.vector_store_idx %arg11[%iota3A, %add3A_628], %add3A_632 : memref<32x128xf32, #tpu.memory_space<vmem>>[vector<16xi32>, vector<16xi32>], vector<16xf32>,
        %add3A_637 = arith.constant 16 : i32
        %add3A_638 = vector.broadcast %add3A_637 : i32 to vector<16xi32>
        %add3A_639 = arith.addi %iota3A, %add3A_638 : vector<16xi32>
        tpu.vector_store_idx %arg11[%add3A_639, %add3A_628], %add3A_636 : memref<32x128xf32, #tpu.memory_space<vmem>>[vector<16xi32>, vector<16xi32>], vector<16xf32>,
        %add3A_640 = arith.constant 12 : i32
        %add3A_641 = arith.addi %mul3A_431, %add3A_640 : i32
        %broadcast_in_dim3A_642 = arith.constant 0 : i32
        %broadcast_in_dim3A_643 = vector.broadcast %broadcast_in_dim3A_642 : i32 to vector<16xi32>
        %add3A_644 = vector.broadcast %add3A_641 : i32 to vector<16xi32>
        %add3A_645 = arith.addi %broadcast_in_dim3A_643, %add3A_644 : vector<16xi32>
        %get3A_646 = arith.index_cast %add3A_641 : i32 to index
        %get3A_647 = arith.constant 0 : index
        %get3A_648 = tpu.vector_load %arg9[%get3A_646, %get3A_647] {strides = array<i32>} : memref<128x32xf32, #tpu.memory_space<vmem>>, vector<16xf32>,
        %add3A_649 = arith.addf %get3A_648, %get3A_433 : vector<16xf32>
        %get3A_650 = arith.index_cast %add3A_641 : i32 to index
        %get3A_651 = arith.constant 16 : index
        %get3A_652 = tpu.vector_load %arg9[%get3A_650, %get3A_651] {strides = array<i32>} : memref<128x32xf32, #tpu.memory_space<vmem>>, vector<16xf32>,
        %add3A_653 = arith.addf %get3A_652, %get3A_436 : vector<16xf32>
        tpu.vector_store_idx %arg11[%iota3A, %add3A_645], %add3A_649 : memref<32x128xf32, #tpu.memory_space<vmem>>[vector<16xi32>, vector<16xi32>], vector<16xf32>,
        %add3A_654 = arith.constant 16 : i32
        %add3A_655 = vector.broadcast %add3A_654 : i32 to vector<16xi32>
        %add3A_656 = arith.addi %iota3A, %add3A_655 : vector<16xi32>
        tpu.vector_store_idx %arg11[%add3A_656, %add3A_645], %add3A_653 : memref<32x128xf32, #tpu.memory_space<vmem>>[vector<16xi32>, vector<16xi32>], vector<16xf32>,
        %add3A_657 = arith.constant 13 : i32
        %add3A_658 = arith.addi %mul3A_431, %add3A_657 : i32
        %broadcast_in_dim3A_659 = arith.constant 0 : i32
        %broadcast_in_dim3A_660 = vector.broadcast %broadcast_in_dim3A_659 : i32 to vector<16xi32>
        %add3A_661 = vector.broadcast %add3A_658 : i32 to vector<16xi32>
        %add3A_662 = arith.addi %broadcast_in_dim3A_660, %add3A_661 : vector<16xi32>
        %get3A_663 = arith.index_cast %add3A_658 : i32 to index
        %get3A_664 = arith.constant 0 : index
        %get3A_665 = tpu.vector_load %arg9[%get3A_663, %get3A_664] {strides = array<i32>} : memref<128x32xf32, #tpu.memory_space<vmem>>, vector<16xf32>,
        %add3A_666 = arith.addf %get3A_665, %get3A_433 : vector<16xf32>
        %get3A_667 = arith.index_cast %add3A_658 : i32 to index
        %get3A_668 = arith.constant 16 : index
        %get3A_669 = tpu.vector_load %arg9[%get3A_667, %get3A_668] {strides = array<i32>} : memref<128x32xf32, #tpu.memory_space<vmem>>, vector<16xf32>,
        %add3A_670 = arith.addf %get3A_669, %get3A_436 : vector<16xf32>
        tpu.vector_store_idx %arg11[%iota3A, %add3A_662], %add3A_666 : memref<32x128xf32, #tpu.memory_space<vmem>>[vector<16xi32>, vector<16xi32>], vector<16xf32>,
        %add3A_671 = arith.constant 16 : i32
        %add3A_672 = vector.broadcast %add3A_671 : i32 to vector<16xi32>
        %add3A_673 = arith.addi %iota3A, %add3A_672 : vector<16xi32>
        tpu.vector_store_idx %arg11[%add3A_673, %add3A_662], %add3A_670 : memref<32x128xf32, #tpu.memory_space<vmem>>[vector<16xi32>, vector<16xi32>], vector<16xf32>,
        %add3A_674 = arith.constant 14 : i32
        %add3A_675 = arith.addi %mul3A_431, %add3A_674 : i32
        %broadcast_in_dim3A_676 = arith.constant 0 : i32
        %broadcast_in_dim3A_677 = vector.broadcast %broadcast_in_dim3A_676 : i32 to vector<16xi32>
        %add3A_678 = vector.broadcast %add3A_675 : i32 to vector<16xi32>
        %add3A_679 = arith.addi %broadcast_in_dim3A_677, %add3A_678 : vector<16xi32>
        %get3A_680 = arith.index_cast %add3A_675 : i32 to index
        %get3A_681 = arith.constant 0 : index
        %get3A_682 = tpu.vector_load %arg9[%get3A_680, %get3A_681] {strides = array<i32>} : memref<128x32xf32, #tpu.memory_space<vmem>>, vector<16xf32>,
        %add3A_683 = arith.addf %get3A_682, %get3A_433 : vector<16xf32>
        %get3A_684 = arith.index_cast %add3A_675 : i32 to index
        %get3A_685 = arith.constant 16 : index
        %get3A_686 = tpu.vector_load %arg9[%get3A_684, %get3A_685] {strides = array<i32>} : memref<128x32xf32, #tpu.memory_space<vmem>>, vector<16xf32>,
        %add3A_687 = arith.addf %get3A_686, %get3A_436 : vector<16xf32>
        tpu.vector_store_idx %arg11[%iota3A, %add3A_679], %add3A_683 : memref<32x128xf32, #tpu.memory_space<vmem>>[vector<16xi32>, vector<16xi32>], vector<16xf32>,
        %add3A_688 = arith.constant 16 : i32
        %add3A_689 = vector.broadcast %add3A_688 : i32 to vector<16xi32>
        %add3A_690 = arith.addi %iota3A, %add3A_689 : vector<16xi32>
        tpu.vector_store_idx %arg11[%add3A_690, %add3A_679], %add3A_687 : memref<32x128xf32, #tpu.memory_space<vmem>>[vector<16xi32>, vector<16xi32>], vector<16xf32>,
        %add3A_691 = arith.constant 15 : i32
        %add3A_692 = arith.addi %mul3A_431, %add3A_691 : i32
        %broadcast_in_dim3A_693 = arith.constant 0 : i32
        %broadcast_in_dim3A_694 = vector.broadcast %broadcast_in_dim3A_693 : i32 to vector<16xi32>
        %add3A_695 = vector.broadcast %add3A_692 : i32 to vector<16xi32>
        %add3A_696 = arith.addi %broadcast_in_dim3A_694, %add3A_695 : vector<16xi32>
        %get3A_697 = arith.index_cast %add3A_692 : i32 to index
        %get3A_698 = arith.constant 0 : index
        %get3A_699 = tpu.vector_load %arg9[%get3A_697, %get3A_698] {strides = array<i32>} : memref<128x32xf32, #tpu.memory_space<vmem>>, vector<16xf32>,
        %add3A_700 = arith.addf %get3A_699, %get3A_433 : vector<16xf32>
        %get3A_701 = arith.index_cast %add3A_692 : i32 to index
        %get3A_702 = arith.constant 16 : index
        %get3A_703 = tpu.vector_load %arg9[%get3A_701, %get3A_702] {strides = array<i32>} : memref<128x32xf32, #tpu.memory_space<vmem>>, vector<16xf32>,
        %add3A_704 = arith.addf %get3A_703, %get3A_436 : vector<16xf32>
        tpu.vector_store_idx %arg11[%iota3A, %add3A_696], %add3A_700 : memref<32x128xf32, #tpu.memory_space<vmem>>[vector<16xi32>, vector<16xi32>], vector<16xf32>,
        %add3A_705 = arith.constant 16 : i32
        %add3A_706 = vector.broadcast %add3A_705 : i32 to vector<16xi32>
        %add3A_707 = arith.addi %iota3A, %add3A_706 : vector<16xi32>
        tpu.vector_store_idx %arg11[%add3A_707, %add3A_696], %add3A_704 : memref<32x128xf32, #tpu.memory_space<vmem>>[vector<16xi32>, vector<16xi32>], vector<16xf32>,
      }
      %scan3A_368 = arith.constant 8 : i32
      %dma_start3A_369 = arith.constant 0 : i32
      %dma_start3A_370 = arith.constant 0 : i32
      %dma_start3A_371 = arith.constant 0 : i32
      %dma_start3A_372 = tpu.memref_slice %arg11[%dma_start3A_370, %dma_start3A_371] : memref<32x128xf32, #tpu.memory_space<vmem>> -> memref<8x128xf32, #tpu.memory_space<vmem>>
      %dma_start3A_373 = arith.constant 0 : i32
      %dma_start3A_374 = arith.constant 0 : i32
      %dma_start3A_375 = tpu.memref_slice %arg5[%add3A_303, %dma_start3A_369, %add3A, %dma_start3A_373, %dma_start3A_374] : memref<200x4x32x8x128xf32, #tpu.memory_space<hbm>> -> memref<1x1x1x8x128xf32, #tpu.memory_space<hbm>>
      %dma_start3A_376 = tpu.memref_squeeze %dma_start3A_375 : memref<1x1x1x8x128xf32, #tpu.memory_space<hbm>> -> memref<8x128xf32, #tpu.memory_space<hbm>>
      %dma_start3A_377 = arith.constant 0 : i32
      %dma_start3A_378 = arith.constant 0 : i32
      %dma_start3A_379 = tpu.memref_slice %arg5[%add3A_303, %dma_start3A_369, %add3A, %dma_start3A_377, %dma_start3A_378] : memref<200x4x32x8x128xf32, #tpu.memory_space<hbm>> -> memref<1x1x1x8x128xf32, #tpu.memory_space<hbm>>
      %dma_start3A_380 = tpu.memref_squeeze %dma_start3A_379 : memref<1x1x1x8x128xf32, #tpu.memory_space<hbm>> -> memref<8x128xf32, #tpu.memory_space<hbm>>
      %dma_start3A_381 = arith.constant 0 : i32
      %dma_start3A_382 = arith.constant 0 : i32
      %dma_start3A_383 = tpu.memref_slice %arg11[%dma_start3A_381, %dma_start3A_382] : memref<32x128xf32, #tpu.memory_space<vmem>> -> memref<8x128xf32, #tpu.memory_space<vmem>>
      tpu.enqueue_dma source(%dma_start3A_383 : memref<8x128xf32, #tpu.memory_space<vmem>>) target(%dma_start3A_380 : memref<8x128xf32, #tpu.memory_space<hbm>>) target_semaphore(%arg15 : memref<!tpu.dma_semaphore, #tpu.memory_space<semaphore_mem>>)
      %dma_start3A_384 = arith.constant 1 : i32
      %dma_start3A_385 = arith.constant 8 : i32
      %dma_start3A_386 = arith.constant 0 : i32
      %dma_start3A_387 = tpu.memref_slice %arg11[%dma_start3A_385, %dma_start3A_386] : memref<32x128xf32, #tpu.memory_space<vmem>> -> memref<8x128xf32, #tpu.memory_space<vmem>>
      %dma_start3A_388 = arith.constant 0 : i32
      %dma_start3A_389 = arith.constant 0 : i32
      %dma_start3A_390 = tpu.memref_slice %arg5[%add3A_303, %dma_start3A_384, %add3A, %dma_start3A_388, %dma_start3A_389] : memref<200x4x32x8x128xf32, #tpu.memory_space<hbm>> -> memref<1x1x1x8x128xf32, #tpu.memory_space<hbm>>
      %dma_start3A_391 = tpu.memref_squeeze %dma_start3A_390 : memref<1x1x1x8x128xf32, #tpu.memory_space<hbm>> -> memref<8x128xf32, #tpu.memory_space<hbm>>
      %dma_start3A_392 = arith.constant 0 : i32
      %dma_start3A_393 = arith.constant 0 : i32
      %dma_start3A_394 = tpu.memref_slice %arg5[%add3A_303, %dma_start3A_384, %add3A, %dma_start3A_392, %dma_start3A_393] : memref<200x4x32x8x128xf32, #tpu.memory_space<hbm>> -> memref<1x1x1x8x128xf32, #tpu.memory_space<hbm>>
      %dma_start3A_395 = tpu.memref_squeeze %dma_start3A_394 : memref<1x1x1x8x128xf32, #tpu.memory_space<hbm>> -> memref<8x128xf32, #tpu.memory_space<hbm>>
      %dma_start3A_396 = arith.constant 8 : i32
      %dma_start3A_397 = arith.constant 0 : i32
      %dma_start3A_398 = tpu.memref_slice %arg11[%dma_start3A_396, %dma_start3A_397] : memref<32x128xf32, #tpu.memory_space<vmem>> -> memref<8x128xf32, #tpu.memory_space<vmem>>
      tpu.enqueue_dma source(%dma_start3A_398 : memref<8x128xf32, #tpu.memory_space<vmem>>) target(%dma_start3A_395 : memref<8x128xf32, #tpu.memory_space<hbm>>) target_semaphore(%arg15 : memref<!tpu.dma_semaphore, #tpu.memory_space<semaphore_mem>>)
      %dma_start3A_399 = arith.constant 2 : i32
      %dma_start3A_400 = arith.constant 16 : i32
      %dma_start3A_401 = arith.constant 0 : i32
      %dma_start3A_402 = tpu.memref_slice %arg11[%dma_start3A_400, %dma_start3A_401] : memref<32x128xf32, #tpu.memory_space<vmem>> -> memref<8x128xf32, #tpu.memory_space<vmem>>
      %dma_start3A_403 = arith.constant 0 : i32
      %dma_start3A_404 = arith.constant 0 : i32
      %dma_start3A_405 = tpu.memref_slice %arg5[%add3A_303, %dma_start3A_399, %add3A, %dma_start3A_403, %dma_start3A_404] : memref<200x4x32x8x128xf32, #tpu.memory_space<hbm>> -> memref<1x1x1x8x128xf32, #tpu.memory_space<hbm>>
      %dma_start3A_406 = tpu.memref_squeeze %dma_start3A_405 : memref<1x1x1x8x128xf32, #tpu.memory_space<hbm>> -> memref<8x128xf32, #tpu.memory_space<hbm>>
      %dma_start3A_407 = arith.constant 0 : i32
      %dma_start3A_408 = arith.constant 0 : i32
      %dma_start3A_409 = tpu.memref_slice %arg5[%add3A_303, %dma_start3A_399, %add3A, %dma_start3A_407, %dma_start3A_408] : memref<200x4x32x8x128xf32, #tpu.memory_space<hbm>> -> memref<1x1x1x8x128xf32, #tpu.memory_space<hbm>>
      %dma_start3A_410 = tpu.memref_squeeze %dma_start3A_409 : memref<1x1x1x8x128xf32, #tpu.memory_space<hbm>> -> memref<8x128xf32, #tpu.memory_space<hbm>>
      %dma_start3A_411 = arith.constant 16 : i32
      %dma_start3A_412 = arith.constant 0 : i32
      %dma_start3A_413 = tpu.memref_slice %arg11[%dma_start3A_411, %dma_start3A_412] : memref<32x128xf32, #tpu.memory_space<vmem>> -> memref<8x128xf32, #tpu.memory_space<vmem>>
      tpu.enqueue_dma source(%dma_start3A_413 : memref<8x128xf32, #tpu.memory_space<vmem>>) target(%dma_start3A_410 : memref<8x128xf32, #tpu.memory_space<hbm>>) target_semaphore(%arg15 : memref<!tpu.dma_semaphore, #tpu.memory_space<semaphore_mem>>)
      %dma_start3A_414 = arith.constant 3 : i32
      %dma_start3A_415 = arith.constant 24 : i32
      %dma_start3A_416 = arith.constant 0 : i32
      %dma_start3A_417 = tpu.memref_slice %arg11[%dma_start3A_415, %dma_start3A_416] : memref<32x128xf32, #tpu.memory_space<vmem>> -> memref<8x128xf32, #tpu.memory_space<vmem>>
      %dma_start3A_418 = arith.constant 0 : i32
      %dma_start3A_419 = arith.constant 0 : i32
      %dma_start3A_420 = tpu.memref_slice %arg5[%add3A_303, %dma_start3A_414, %add3A, %dma_start3A_418, %dma_start3A_419] : memref<200x4x32x8x128xf32, #tpu.memory_space<hbm>> -> memref<1x1x1x8x128xf32, #tpu.memory_space<hbm>>
      %dma_start3A_421 = tpu.memref_squeeze %dma_start3A_420 : memref<1x1x1x8x128xf32, #tpu.memory_space<hbm>> -> memref<8x128xf32, #tpu.memory_space<hbm>>
      %dma_start3A_422 = arith.constant 0 : i32
      %dma_start3A_423 = arith.constant 0 : i32
      %dma_start3A_424 = tpu.memref_slice %arg5[%add3A_303, %dma_start3A_414, %add3A, %dma_start3A_422, %dma_start3A_423] : memref<200x4x32x8x128xf32, #tpu.memory_space<hbm>> -> memref<1x1x1x8x128xf32, #tpu.memory_space<hbm>>
      %dma_start3A_425 = tpu.memref_squeeze %dma_start3A_424 : memref<1x1x1x8x128xf32, #tpu.memory_space<hbm>> -> memref<8x128xf32, #tpu.memory_space<hbm>>
      %dma_start3A_426 = arith.constant 24 : i32
      %dma_start3A_427 = arith.constant 0 : i32
      %dma_start3A_428 = tpu.memref_slice %arg11[%dma_start3A_426, %dma_start3A_427] : memref<32x128xf32, #tpu.memory_space<vmem>> -> memref<8x128xf32, #tpu.memory_space<vmem>>
      tpu.enqueue_dma source(%dma_start3A_428 : memref<8x128xf32, #tpu.memory_space<vmem>>) target(%dma_start3A_425 : memref<8x128xf32, #tpu.memory_space<hbm>>) target_semaphore(%arg15 : memref<!tpu.dma_semaphore, #tpu.memory_space<semaphore_mem>>)
    }
    %scan3A_13 = arith.constant 100 : i32
    %dma_wait3A = arith.constant 198 : i32
    %dma_wait3A_14 = arith.constant 0 : i32
    %dma_wait3A_15 = arith.constant 0 : i32
    %dma_wait3A_16 = arith.constant 0 : i32
    %dma_wait3A_17 = tpu.memref_slice %arg10[%dma_wait3A_15, %dma_wait3A_16] : memref<32x128xf32, #tpu.memory_space<vmem>> -> memref<8x128xf32, #tpu.memory_space<vmem>>
    %dma_wait3A_18 = arith.constant 0 : i32
    %dma_wait3A_19 = arith.constant 0 : i32
    %dma_wait3A_20 = tpu.memref_slice %arg5[%dma_wait3A, %dma_wait3A_14, %add3A, %dma_wait3A_18, %dma_wait3A_19] : memref<200x4x32x8x128xf32, #tpu.memory_space<hbm>> -> memref<1x1x1x8x128xf32, #tpu.memory_space<hbm>>
    %dma_wait3A_21 = tpu.memref_squeeze %dma_wait3A_20 : memref<1x1x1x8x128xf32, #tpu.memory_space<hbm>> -> memref<8x128xf32, #tpu.memory_space<hbm>>
    %dma_wait3A_22 = arith.constant 0 : i32
    %dma_wait3A_23 = arith.constant 0 : i32
    %dma_wait3A_24 = tpu.memref_slice %arg5[%dma_wait3A, %dma_wait3A_14, %add3A, %dma_wait3A_22, %dma_wait3A_23] : memref<200x4x32x8x128xf32, #tpu.memory_space<hbm>> -> memref<1x1x1x8x128xf32, #tpu.memory_space<hbm>>
    %dma_wait3A_25 = tpu.memref_squeeze %dma_wait3A_24 : memref<1x1x1x8x128xf32, #tpu.memory_space<hbm>> -> memref<8x128xf32, #tpu.memory_space<hbm>>
    %dma_wait3A_26 = arith.constant 0 : i32
    %dma_wait3A_27 = arith.constant 0 : i32
    %dma_wait3A_28 = tpu.memref_slice %arg10[%dma_wait3A_26, %dma_wait3A_27] : memref<32x128xf32, #tpu.memory_space<vmem>> -> memref<8x128xf32, #tpu.memory_space<vmem>>
    tpu.wait_dma2 semaphore(%arg14 : memref<!tpu.dma_semaphore, #tpu.memory_space<semaphore_mem>>) src(%dma_wait3A_28 : memref<8x128xf32, #tpu.memory_space<vmem>>) dst(%dma_wait3A_25 : memref<8x128xf32, #tpu.memory_space<hbm>>)
    %dma_wait3A_29 = arith.constant 198 : i32
    %dma_wait3A_30 = arith.constant 1 : i32
    %dma_wait3A_31 = arith.constant 8 : i32
    %dma_wait3A_32 = arith.constant 0 : i32
    %dma_wait3A_33 = tpu.memref_slice %arg10[%dma_wait3A_31, %dma_wait3A_32] : memref<32x128xf32, #tpu.memory_space<vmem>> -> memref<8x128xf32, #tpu.memory_space<vmem>>
    %dma_wait3A_34 = arith.constant 0 : i32
    %dma_wait3A_35 = arith.constant 0 : i32
    %dma_wait3A_36 = tpu.memref_slice %arg5[%dma_wait3A_29, %dma_wait3A_30, %add3A, %dma_wait3A_34, %dma_wait3A_35] : memref<200x4x32x8x128xf32, #tpu.memory_space<hbm>> -> memref<1x1x1x8x128xf32, #tpu.memory_space<hbm>>
    %dma_wait3A_37 = tpu.memref_squeeze %dma_wait3A_36 : memref<1x1x1x8x128xf32, #tpu.memory_space<hbm>> -> memref<8x128xf32, #tpu.memory_space<hbm>>
    %dma_wait3A_38 = arith.constant 0 : i32
    %dma_wait3A_39 = arith.constant 0 : i32
    %dma_wait3A_40 = tpu.memref_slice %arg5[%dma_wait3A_29, %dma_wait3A_30, %add3A, %dma_wait3A_38, %dma_wait3A_39] : memref<200x4x32x8x128xf32, #tpu.memory_space<hbm>> -> memref<1x1x1x8x128xf32, #tpu.memory_space<hbm>>
    %dma_wait3A_41 = tpu.memref_squeeze %dma_wait3A_40 : memref<1x1x1x8x128xf32, #tpu.memory_space<hbm>> -> memref<8x128xf32, #tpu.memory_space<hbm>>
    %dma_wait3A_42 = arith.constant 8 : i32
    %dma_wait3A_43 = arith.constant 0 : i32
    %dma_wait3A_44 = tpu.memref_slice %arg10[%dma_wait3A_42, %dma_wait3A_43] : memref<32x128xf32, #tpu.memory_space<vmem>> -> memref<8x128xf32, #tpu.memory_space<vmem>>
    tpu.wait_dma2 semaphore(%arg14 : memref<!tpu.dma_semaphore, #tpu.memory_space<semaphore_mem>>) src(%dma_wait3A_44 : memref<8x128xf32, #tpu.memory_space<vmem>>) dst(%dma_wait3A_41 : memref<8x128xf32, #tpu.memory_space<hbm>>)
    %dma_wait3A_45 = arith.constant 198 : i32
    %dma_wait3A_46 = arith.constant 2 : i32
    %dma_wait3A_47 = arith.constant 16 : i32
    %dma_wait3A_48 = arith.constant 0 : i32
    %dma_wait3A_49 = tpu.memref_slice %arg10[%dma_wait3A_47, %dma_wait3A_48] : memref<32x128xf32, #tpu.memory_space<vmem>> -> memref<8x128xf32, #tpu.memory_space<vmem>>
    %dma_wait3A_50 = arith.constant 0 : i32
    %dma_wait3A_51 = arith.constant 0 : i32
    %dma_wait3A_52 = tpu.memref_slice %arg5[%dma_wait3A_45, %dma_wait3A_46, %add3A, %dma_wait3A_50, %dma_wait3A_51] : memref<200x4x32x8x128xf32, #tpu.memory_space<hbm>> -> memref<1x1x1x8x128xf32, #tpu.memory_space<hbm>>
    %dma_wait3A_53 = tpu.memref_squeeze %dma_wait3A_52 : memref<1x1x1x8x128xf32, #tpu.memory_space<hbm>> -> memref<8x128xf32, #tpu.memory_space<hbm>>
    %dma_wait3A_54 = arith.constant 0 : i32
    %dma_wait3A_55 = arith.constant 0 : i32
    %dma_wait3A_56 = tpu.memref_slice %arg5[%dma_wait3A_45, %dma_wait3A_46, %add3A, %dma_wait3A_54, %dma_wait3A_55] : memref<200x4x32x8x128xf32, #tpu.memory_space<hbm>> -> memref<1x1x1x8x128xf32, #tpu.memory_space<hbm>>
    %dma_wait3A_57 = tpu.memref_squeeze %dma_wait3A_56 : memref<1x1x1x8x128xf32, #tpu.memory_space<hbm>> -> memref<8x128xf32, #tpu.memory_space<hbm>>
    %dma_wait3A_58 = arith.constant 16 : i32
    %dma_wait3A_59 = arith.constant 0 : i32
    %dma_wait3A_60 = tpu.memref_slice %arg10[%dma_wait3A_58, %dma_wait3A_59] : memref<32x128xf32, #tpu.memory_space<vmem>> -> memref<8x128xf32, #tpu.memory_space<vmem>>
    tpu.wait_dma2 semaphore(%arg14 : memref<!tpu.dma_semaphore, #tpu.memory_space<semaphore_mem>>) src(%dma_wait3A_60 : memref<8x128xf32, #tpu.memory_space<vmem>>) dst(%dma_wait3A_57 : memref<8x128xf32, #tpu.memory_space<hbm>>)
    %dma_wait3A_61 = arith.constant 198 : i32
    %dma_wait3A_62 = arith.constant 3 : i32
    %dma_wait3A_63 = arith.constant 24 : i32
    %dma_wait3A_64 = arith.constant 0 : i32
    %dma_wait3A_65 = tpu.memref_slice %arg10[%dma_wait3A_63, %dma_wait3A_64] : memref<32x128xf32, #tpu.memory_space<vmem>> -> memref<8x128xf32, #tpu.memory_space<vmem>>
    %dma_wait3A_66 = arith.constant 0 : i32
    %dma_wait3A_67 = arith.constant 0 : i32
    %dma_wait3A_68 = tpu.memref_slice %arg5[%dma_wait3A_61, %dma_wait3A_62, %add3A, %dma_wait3A_66, %dma_wait3A_67] : memref<200x4x32x8x128xf32, #tpu.memory_space<hbm>> -> memref<1x1x1x8x128xf32, #tpu.memory_space<hbm>>
    %dma_wait3A_69 = tpu.memref_squeeze %dma_wait3A_68 : memref<1x1x1x8x128xf32, #tpu.memory_space<hbm>> -> memref<8x128xf32, #tpu.memory_space<hbm>>
    %dma_wait3A_70 = arith.constant 0 : i32
    %dma_wait3A_71 = arith.constant 0 : i32
    %dma_wait3A_72 = tpu.memref_slice %arg5[%dma_wait3A_61, %dma_wait3A_62, %add3A, %dma_wait3A_70, %dma_wait3A_71] : memref<200x4x32x8x128xf32, #tpu.memory_space<hbm>> -> memref<1x1x1x8x128xf32, #tpu.memory_space<hbm>>
    %dma_wait3A_73 = tpu.memref_squeeze %dma_wait3A_72 : memref<1x1x1x8x128xf32, #tpu.memory_space<hbm>> -> memref<8x128xf32, #tpu.memory_space<hbm>>
    %dma_wait3A_74 = arith.constant 24 : i32
    %dma_wait3A_75 = arith.constant 0 : i32
    %dma_wait3A_76 = tpu.memref_slice %arg10[%dma_wait3A_74, %dma_wait3A_75] : memref<32x128xf32, #tpu.memory_space<vmem>> -> memref<8x128xf32, #tpu.memory_space<vmem>>
    tpu.wait_dma2 semaphore(%arg14 : memref<!tpu.dma_semaphore, #tpu.memory_space<semaphore_mem>>) src(%dma_wait3A_76 : memref<8x128xf32, #tpu.memory_space<vmem>>) dst(%dma_wait3A_73 : memref<8x128xf32, #tpu.memory_space<hbm>>)
    %dma_wait3A_77 = arith.constant 199 : i32
    %dma_wait3A_78 = arith.constant 0 : i32
    %dma_wait3A_79 = arith.constant 0 : i32
    %dma_wait3A_80 = arith.constant 0 : i32
    %dma_wait3A_81 = tpu.memref_slice %arg11[%dma_wait3A_79, %dma_wait3A_80] : memref<32x128xf32, #tpu.memory_space<vmem>> -> memref<8x128xf32, #tpu.memory_space<vmem>>
    %dma_wait3A_82 = arith.constant 0 : i32
    %dma_wait3A_83 = arith.constant 0 : i32
    %dma_wait3A_84 = tpu.memref_slice %arg5[%dma_wait3A_77, %dma_wait3A_78, %add3A, %dma_wait3A_82, %dma_wait3A_83] : memref<200x4x32x8x128xf32, #tpu.memory_space<hbm>> -> memref<1x1x1x8x128xf32, #tpu.memory_space<hbm>>
    %dma_wait3A_85 = tpu.memref_squeeze %dma_wait3A_84 : memref<1x1x1x8x128xf32, #tpu.memory_space<hbm>> -> memref<8x128xf32, #tpu.memory_space<hbm>>
    %dma_wait3A_86 = arith.constant 0 : i32
    %dma_wait3A_87 = arith.constant 0 : i32
    %dma_wait3A_88 = tpu.memref_slice %arg5[%dma_wait3A_77, %dma_wait3A_78, %add3A, %dma_wait3A_86, %dma_wait3A_87] : memref<200x4x32x8x128xf32, #tpu.memory_space<hbm>> -> memref<1x1x1x8x128xf32, #tpu.memory_space<hbm>>
    %dma_wait3A_89 = tpu.memref_squeeze %dma_wait3A_88 : memref<1x1x1x8x128xf32, #tpu.memory_space<hbm>> -> memref<8x128xf32, #tpu.memory_space<hbm>>
    %dma_wait3A_90 = arith.constant 0 : i32
    %dma_wait3A_91 = arith.constant 0 : i32
    %dma_wait3A_92 = tpu.memref_slice %arg11[%dma_wait3A_90, %dma_wait3A_91] : memref<32x128xf32, #tpu.memory_space<vmem>> -> memref<8x128xf32, #tpu.memory_space<vmem>>
    tpu.wait_dma2 semaphore(%arg15 : memref<!tpu.dma_semaphore, #tpu.memory_space<semaphore_mem>>) src(%dma_wait3A_92 : memref<8x128xf32, #tpu.memory_space<vmem>>) dst(%dma_wait3A_89 : memref<8x128xf32, #tpu.memory_space<hbm>>)
    %dma_wait3A_93 = arith.constant 199 : i32
    %dma_wait3A_94 = arith.constant 1 : i32
    %dma_wait3A_95 = arith.constant 8 : i32
    %dma_wait3A_96 = arith.constant 0 : i32
    %dma_wait3A_97 = tpu.memref_slice %arg11[%dma_wait3A_95, %dma_wait3A_96] : memref<32x128xf32, #tpu.memory_space<vmem>> -> memref<8x128xf32, #tpu.memory_space<vmem>>
    %dma_wait3A_98 = arith.constant 0 : i32
    %dma_wait3A_99 = arith.constant 0 : i32
    %dma_wait3A_100 = tpu.memref_slice %arg5[%dma_wait3A_93, %dma_wait3A_94, %add3A, %dma_wait3A_98, %dma_wait3A_99] : memref<200x4x32x8x128xf32, #tpu.memory_space<hbm>> -> memref<1x1x1x8x128xf32, #tpu.memory_space<hbm>>
    %dma_wait3A_101 = tpu.memref_squeeze %dma_wait3A_100 : memref<1x1x1x8x128xf32, #tpu.memory_space<hbm>> -> memref<8x128xf32, #tpu.memory_space<hbm>>
    %dma_wait3A_102 = arith.constant 0 : i32
    %dma_wait3A_103 = arith.constant 0 : i32
    %dma_wait3A_104 = tpu.memref_slice %arg5[%dma_wait3A_93, %dma_wait3A_94, %add3A, %dma_wait3A_102, %dma_wait3A_103] : memref<200x4x32x8x128xf32, #tpu.memory_space<hbm>> -> memref<1x1x1x8x128xf32, #tpu.memory_space<hbm>>
    %dma_wait3A_105 = tpu.memref_squeeze %dma_wait3A_104 : memref<1x1x1x8x128xf32, #tpu.memory_space<hbm>> -> memref<8x128xf32, #tpu.memory_space<hbm>>
    %dma_wait3A_106 = arith.constant 8 : i32
    %dma_wait3A_107 = arith.constant 0 : i32
    %dma_wait3A_108 = tpu.memref_slice %arg11[%dma_wait3A_106, %dma_wait3A_107] : memref<32x128xf32, #tpu.memory_space<vmem>> -> memref<8x128xf32, #tpu.memory_space<vmem>>
    tpu.wait_dma2 semaphore(%arg15 : memref<!tpu.dma_semaphore, #tpu.memory_space<semaphore_mem>>) src(%dma_wait3A_108 : memref<8x128xf32, #tpu.memory_space<vmem>>) dst(%dma_wait3A_105 : memref<8x128xf32, #tpu.memory_space<hbm>>)
    %dma_wait3A_109 = arith.constant 199 : i32
    %dma_wait3A_110 = arith.constant 2 : i32
    %dma_wait3A_111 = arith.constant 16 : i32
    %dma_wait3A_112 = arith.constant 0 : i32
    %dma_wait3A_113 = tpu.memref_slice %arg11[%dma_wait3A_111, %dma_wait3A_112] : memref<32x128xf32, #tpu.memory_space<vmem>> -> memref<8x128xf32, #tpu.memory_space<vmem>>
    %dma_wait3A_114 = arith.constant 0 : i32
    %dma_wait3A_115 = arith.constant 0 : i32
    %dma_wait3A_116 = tpu.memref_slice %arg5[%dma_wait3A_109, %dma_wait3A_110, %add3A, %dma_wait3A_114, %dma_wait3A_115] : memref<200x4x32x8x128xf32, #tpu.memory_space<hbm>> -> memref<1x1x1x8x128xf32, #tpu.memory_space<hbm>>
    %dma_wait3A_117 = tpu.memref_squeeze %dma_wait3A_116 : memref<1x1x1x8x128xf32, #tpu.memory_space<hbm>> -> memref<8x128xf32, #tpu.memory_space<hbm>>
    %dma_wait3A_118 = arith.constant 0 : i32
    %dma_wait3A_119 = arith.constant 0 : i32
    %dma_wait3A_120 = tpu.memref_slice %arg5[%dma_wait3A_109, %dma_wait3A_110, %add3A, %dma_wait3A_118, %dma_wait3A_119] : memref<200x4x32x8x128xf32, #tpu.memory_space<hbm>> -> memref<1x1x1x8x128xf32, #tpu.memory_space<hbm>>
    %dma_wait3A_121 = tpu.memref_squeeze %dma_wait3A_120 : memref<1x1x1x8x128xf32, #tpu.memory_space<hbm>> -> memref<8x128xf32, #tpu.memory_space<hbm>>
    %dma_wait3A_122 = arith.constant 16 : i32
    %dma_wait3A_123 = arith.constant 0 : i32
    %dma_wait3A_124 = tpu.memref_slice %arg11[%dma_wait3A_122, %dma_wait3A_123] : memref<32x128xf32, #tpu.memory_space<vmem>> -> memref<8x128xf32, #tpu.memory_space<vmem>>
    tpu.wait_dma2 semaphore(%arg15 : memref<!tpu.dma_semaphore, #tpu.memory_space<semaphore_mem>>) src(%dma_wait3A_124 : memref<8x128xf32, #tpu.memory_space<vmem>>) dst(%dma_wait3A_121 : memref<8x128xf32, #tpu.memory_space<hbm>>)
    %dma_wait3A_125 = arith.constant 199 : i32
    %dma_wait3A_126 = arith.constant 3 : i32
    %dma_wait3A_127 = arith.constant 24 : i32
    %dma_wait3A_128 = arith.constant 0 : i32
    %dma_wait3A_129 = tpu.memref_slice %arg11[%dma_wait3A_127, %dma_wait3A_128] : memref<32x128xf32, #tpu.memory_space<vmem>> -> memref<8x128xf32, #tpu.memory_space<vmem>>
    %dma_wait3A_130 = arith.constant 0 : i32
    %dma_wait3A_131 = arith.constant 0 : i32
    %dma_wait3A_132 = tpu.memref_slice %arg5[%dma_wait3A_125, %dma_wait3A_126, %add3A, %dma_wait3A_130, %dma_wait3A_131] : memref<200x4x32x8x128xf32, #tpu.memory_space<hbm>> -> memref<1x1x1x8x128xf32, #tpu.memory_space<hbm>>
    %dma_wait3A_133 = tpu.memref_squeeze %dma_wait3A_132 : memref<1x1x1x8x128xf32, #tpu.memory_space<hbm>> -> memref<8x128xf32, #tpu.memory_space<hbm>>
    %dma_wait3A_134 = arith.constant 0 : i32
    %dma_wait3A_135 = arith.constant 0 : i32
    %dma_wait3A_136 = tpu.memref_slice %arg5[%dma_wait3A_125, %dma_wait3A_126, %add3A, %dma_wait3A_134, %dma_wait3A_135] : memref<200x4x32x8x128xf32, #tpu.memory_space<hbm>> -> memref<1x1x1x8x128xf32, #tpu.memory_space<hbm>>
    %dma_wait3A_137 = tpu.memref_squeeze %dma_wait3A_136 : memref<1x1x1x8x128xf32, #tpu.memory_space<hbm>> -> memref<8x128xf32, #tpu.memory_space<hbm>>
    %dma_wait3A_138 = arith.constant 24 : i32
    %dma_wait3A_139 = arith.constant 0 : i32
    %dma_wait3A_140 = tpu.memref_slice %arg11[%dma_wait3A_138, %dma_wait3A_139] : memref<32x128xf32, #tpu.memory_space<vmem>> -> memref<8x128xf32, #tpu.memory_space<vmem>>
    tpu.wait_dma2 semaphore(%arg15 : memref<!tpu.dma_semaphore, #tpu.memory_space<semaphore_mem>>) src(%dma_wait3A_140 : memref<8x128xf32, #tpu.memory_space<vmem>>) dst(%dma_wait3A_137 : memref<8x128xf32, #tpu.memory_space<hbm>>)
    return
  }
}

</mosaic_0001>

<sc_bundles>
// kernel: kernel.3.cloned.1.call-start
scs
__scs_entry_jumppad:
0x0: {  	(pc) =	sbr.rel $0x88, $3  }
0x1: {  	(tag) =	ssettag $0x0;
	lr =	simm.s32 $0x1  }
0x2: {  	[smem:$0x3F9E] =	sst lr;
	_ =	strace $0xD0000000  }
0x3: {  	_ = 	snop  }
0x4: {  	_ = 	snop  }
0x5: {  	_ = 	snop  }
0x6: {  	_ = 	snop  }
0x7: {  	_ = 	snop  }
__scs_overlays_trampoline_lowered:
0x8: {  	[smem:$0x3FAD] =	sst s0  }
0x9: {  	[smem:$0x3FAE] =	sst s1  }
0xa: {  	[smem:$0x3FAF] =	sst s2  }
0xb: {  	[smem:$0x3FB0] =	sst s3  }
0xc: {  	[smem:$0x3FB1] =	sst s4  }
0xd: {  	[smem:$0x3FB2] =	sst s5  }
0xe: {  	[smem:$0x3FB3] =	sst s6  }
0xf: {  	[smem:$0x3FB4] =	sst s7  }
0x10: {  	[smem:$0x3FB5] =	sst s8  }
0x11: {  	[smem:$0x3FB6] =	sst s9;
	s0 =	simm.s32 @!p0 $0x0  }
0x12: {  	s1 =	sld [smem:$0x3F9C];
	s0 =	simm.s32 @p0 $0x1  }
0x13: {  	[smem:$0x3FB7] =	sst s0;
	s0 =	simm.s32 @!p1 $0x0  }
0x14: {  	s2 =	sld [smem:$0x3F9B];
	s0 =	simm.s32 @p1 $0x1  }
0x15: {  	[smem:$0x3FB8] =	sst s0;
	s0 =	simm.s32 @!p2 $0x0  }
0x16: {  	s3 =	sld [smem:$0x3FDB];
	s0 =	simm.s32 @p2 $0x1  }
0x17: {  	s4 =	simm.s32 $0x1BF5;
	[smem:$0x3FBA] =	sst s0  }
0x18: {  	s0 =	sld [smem:$0x3F9D];
	_ =	swait.ge [sflag:s4], $0x0  }
0x19: {  	s7 =	sld [smem:$0x3F9E]  }
0x1a: {  	s8 =	sadd.s32 $0xFFFFE003, lr  }
0x1b: {  	s9 =	sadd.s32 $0xFFFFFEF7, lr;
	s5 =	simm.s32 $0xFFFFFFFF;
	p2 =	slt.u32 s8, $0xFFFFF086  }
0x1c: {  	p1 =	slt.u32 s9, $0xF7A;
	s5 =	simm.s32 @!p2 $0x0  }
0x1d: {  	s5 =	simm.s32 @p1 $0x1;
	p0 =	seq.s32 s7, s2  }
0x1e: {  	s7 =	smul.u32 @!p0 $0xF7A, s2;
	p2 =	seq.s32 @!p0 s5, $0x0  }
0x1f: {  	s9 =	smul.u32 $0xF7A, s1;
	s8 =	simm.s32 @!p0 $0x1BF5;
	p2 =	por !p2, p0  }
0x20: {  	[sflag:s8] =	ssyncset.s32 @!p0 $0xFFFFF086;
	s6 =	sadd.s32 @!p0 s3, s7;
	s7 =	simm.s32 @!p0 $0x108  }
0x21: {  	s3 =	sadd.s32 s3, s9;
	s6 =	sadd.s32 @!p0 $0x88, s6;
	s7 =	simm.s32 @p2 $0x1082  }
0x22: {  	[simem:s7], [sflag:s8] =	dma.local @!p0 [hbm:s6], $0xF7A  }
0x23: {  	s9 =	sor.u32 $0xD0000000, s2;
	s6 =	simm.s32 $0x108;
	_ =	swait.ge @!p0 [sflag:s8], $0x0  }
0x24: {  	s3 =	sadd.s32 $0x88, s3;
	s6 =	simm.s32 @!p1 $0x1082;
	[sflag:s4] =	ssyncset.s32 $0xFFFFF086  }
0x25: {  	[simem:s6], [sflag:s4] =	dma.local [hbm:s3], $0xF7A  }
0x26: {  	[smem:$0x3F9E] =	sst s1;
	(tag) =	ssettag s2;
	_ =	strace s9  }
0x27: {  	s1 =	sld [smem:$0x3FAE]  }
0x28: {  	s2 =	sld [smem:$0x3FAF]  }
0x29: {  	s4 =	sld [smem:$0x3FB1]  }
0x2a: {  	p0 =	seq.s32 s5, $0x0;
	s5 =	sld [smem:$0x3FB2]  }
0x2b: {  	s6 =	sld [smem:$0x3FB3]  }
0x2c: {  	s7 =	sld [smem:$0x3FB4]  }
0x2d: {  	s3 =	simm.s32 $0x108;
	s8 =	sld [smem:$0x3FB5]  }
0x2e: {  	s3 =	simm.s32 @!p0 $0x1082;
	s9 =	sld [smem:$0x3FB6]  }
0x2f: {  	lr =	sadd.s32 s0, s3;
	s0 =	sld [smem:$0x3FAD]  }
0x30: {  	s3 =	sld [smem:$0x3FB0]  }
0x31: {  	[smem:$0x3FB9] =	sst s10  }
0x32: {  	s10 =	sld [smem:$0x3FB7];
	_ =	sdelay $0x3  }
0x33: {  	p0 =	seq.s32 s10, $0x1;
	s10 =	sld [smem:$0x3FB9];
	_ =	sdelay $0x3  }
0x34: {  	[smem:$0x3FB9] =	sst s10  }
0x35: {  	s10 =	sld [smem:$0x3FB8];
	_ =	sdelay $0x3  }
0x36: {  	p1 =	seq.s32 s10, $0x1;
	s10 =	sld [smem:$0x3FB9];
	_ =	sdelay $0x3  }
0x37: {  	[smem:$0x3FB9] =	sst s10  }
0x38: {  	s10 =	sld [smem:$0x3FBA]  }
0x39: {  	_ = 	snop;
	(pc) =	sbr.ind lr, $3  }
0x3a: {  	_ = 	snop  }
0x3b: {  	_ = 	snop  }
0x3c: {  	p2 =	seq.s32 s10, $0x1;
	s10 =	sld [smem:$0x3FB9]  }
0x3d: {  	_ =	shalt  }
0x3e: {  	_ =	shalt  }
0x3f: {  	_ =	shalt  }
0x40: {  	_ =	shalt  }
0x41: {  	_ =	shalt  }
0x42: {  	_ =	shalt  }
0x43: {  	_ =	shalt  }
0x44: {  	_ =	shalt  }
0x45: {  	_ =	shalt  }
0x46: {  	_ =	shalt  }
0x47: {  	_ =	shalt  }
0x48: {  	_ =	shalt  }
0x49: {  	_ =	shalt  }
0x4a: {  	_ =	shalt  }
0x4b: {  	_ =	shalt  }
0x4c: {  	_ =	shalt  }
0x4d: {  	_ =	shalt  }
0x4e: {  	_ =	shalt  }
0x4f: {  	_ =	shalt  }
0x50: {  	_ =	shalt  }
0x51: {  	_ =	shalt  }
0x52: {  	_ =	shalt  }
0x53: {  	_ =	shalt  }
0x54: {  	_ =	shalt  }
0x55: {  	_ =	shalt  }
0x56: {  	_ =	shalt  }
0x57: {  	_ =	shalt  }
0x58: {  	_ =	shalt  }
0x59: {  	_ =	shalt  }
0x5a: {  	_ =	shalt  }
0x5b: {  	_ =	shalt  }
0x5c: {  	_ =	shalt  }
0x5d: {  	_ =	shalt  }
0x5e: {  	_ =	shalt  }
0x5f: {  	_ =	shalt  }
0x60: {  	_ =	shalt  }
0x61: {  	_ =	shalt  }
0x62: {  	_ =	shalt  }
0x63: {  	_ =	shalt  }
0x64: {  	_ =	shalt  }
0x65: {  	_ =	shalt  }
0x66: {  	_ =	shalt  }
0x67: {  	_ =	shalt  }
0x68: {  	_ =	shalt  }
0x69: {  	_ =	shalt  }
0x6a: {  	_ =	shalt  }
0x6b: {  	_ =	shalt  }
0x6c: {  	_ =	shalt  }
0x6d: {  	_ =	shalt  }
0x6e: {  	_ =	shalt  }
0x6f: {  	_ =	shalt  }
0x70: {  	_ =	shalt  }
0x71: {  	_ =	shalt  }
0x72: {  	_ =	shalt  }
0x73: {  	_ =	shalt  }
0x74: {  	_ =	shalt  }
0x75: {  	_ =	shalt  }
0x76: {  	_ =	shalt  }
0x77: {  	_ =	shalt  }
0x78: {  	_ =	shalt  }
0x79: {  	_ =	shalt  }
0x7a: {  	_ =	shalt  }
0x7b: {  	_ =	shalt  }
0x7c: {  	_ =	shalt  }
0x7d: {  	_ =	shalt  }
0x7e: {  	_ =	shalt  }
0x7f: {  	_ =	shalt  }
0x80: {  	_ =	shalt  }
0x81: {  	_ =	shalt  }
0x82: {  	_ =	shalt  }
0x83: {  	_ =	shalt  }
0x84: {  	_ =	shalt  }
0x85: {  	_ =	shalt  }
0x86: {  	_ =	shalt  }
0x87: {  	_ =	shalt  }
.Lfunc_end0:
.L_simem_size_0:
called_computation_lowered:
.L_overlay_start_0:
0x88: {  	s2 =	sld [smem:$0x3FD9]  }
0x89: {  	s3 =	sld [smem:$0x3FFE];
	_ =	sdelay $0x1  }
0x8a: {  	s1 =	srdreg.scid  }
0x8b: {  	s0 =	sand.u32 $0x1, s1  }
0x8c: {  	s17 =	sshll.u32 s0, $0xA;
	s2 =	sadd.s32 s3, s2  }
0x8d: {  	s2 =	sadd.s32 s2, s17  }
0x8e: {  	[smem:$0x3FC5] =	sst s2  }
0x8f: {  	_ = 	snop  }
0x90: {  	s2 =	sld [smem:$0x3FC9]  }
0x91: {  	s18 =	sld [smem:$0x3FD0];
	(tm) =	ssettm $0x1  }
0x92: {  	s4 =	sld [smem:$0x3FFB];
	_ =	sdelay $0x3  }
0x93: {  	_ =	strace s4  }
0x94: {  	s4 =	sld [smem:$0x3FFC];
	_ =	sdelay $0x3  }
0x95: {  	_ =	strace s4  }
0x96: {  	s4 =	sld [smem:$0x3FFD];
	_ =	sdelay $0x3  }
0x97: {  	_ =	strace s4  }
0x98: {  	_ =	strace $0x8FFFFFFF  }
0x99: {  	s19 =	sld [smem:$0x3FDB];
	_ =	sdelay $0x1  }
0x9a: {  	s5 =	simm.s32 $_scs_section_size  }
0x9b: {  	s6 =	simm.s32 $_size__tile_overlayer_lowered;
	s7 =	simm.s32 $_tile_overlayer_lowered  }
0x9c: {  	s22 =	simm.s32 $0x1BFF;
	s21 =	sshll.u32 s7, $0x1;
	s4 =	sadd.s32 s5, s19  }
0x9d: {  	s8 =	simm.s32 $0x0;
	s20 =	sshll.u32 s6, $0x1;
	s6 =	sadd.s32 s21, s4  }
0x9e: {  	[timem:s8], [sflag:s22] =	dma.local [hbm:s6], s20  }
0x9f: {  	_ =	swait.ge [sflag:s22], s20  }
0xa0: {  	s5 =	ssub.s32 $0x0, s20;
	[sflag:s22] =	ssyncset.done $0x0  }
0xa1: {  	[sflag:s22] =	ssyncadd.s32 s5;
	_ =	sdelay $0x1  }
0xa2: {  	s23 =	simm.s32 $0x1B8B  }
0xa3: {  	_ =	swait.ge [sflag:s23], $0x1  }
0xa4: {  	[sflag:s23] =	ssyncset.done $0x0  }
0xa5: {  	s25 =	simm.s32 $0x1B8E;
	s24 =	sld [smem:$0x3FFE];
	[sflag:s23] =	ssyncadd.s32 $0xFFFFFFFF  }
0xa6: {  	s26 =	simm.s32 $execute0_lowered;
	[smem:$0x3FD2] =	sst s25  }
0xa7: {  	s6 =	sshll.u32 s26, $0x1;
	_ =	strace $0x80000046;
	[dreg:$0x1] =	wrdreg $0xFFFFFFFF  }
0xa8: {  	s28 =	simm.s32 $_size_execute0_lowered;
	s4 =	sadd.s32 s4, s6;
	[dreg:$0x0] =	wrdreg $0x0  }
0xa9: {  	s6 =	sshll.u32 s28, $0x1;
	[dreg:$0x2] =	wrdreg s4  }
0xaa: {  	[dreg:$0x3] =	wrdreg s6  }
0xab: {  	[dreg:$0x4] =	wrdreg $0xC0  }
0xac: {  	_ =	task [dreg:s8], $0x5FFFF  }
0xad: {  	[dreg:$0x1] =	wrdreg $0xFFFFFFFF  }
0xae: {  	[dreg:$0x0] =	wrdreg $0x60  }
0xaf: {  	[dreg:$0x2] =	wrdreg s2  }
0xb0: {  	[dreg:$0x3] =	wrdreg s24  }
0xb1: {  	[dreg:$0x4] =	wrdreg s18  }
0xb2: {  	[dreg:$0x5] =	wrdreg $0x9  }
0xb3: {  	_ =	task.clear_ibuf [dreg:s8], $0x6FFFF;
	_ =	strace $0x90000046  }
0xb4: {  	s29 =	simm.s32 $0x9;
	_ =	strace $0x80000048  }
0xb5: {  	_ =	swait.ge [sflag:s29], $0x1  }
0xb6: {  	[sflag:s29] =	ssyncadd.s32 $0xFFFFFFFF  }
0xb7: {  	_ =	strace $0x90000048  }
0xb8: {  	_ =	sfence  }
0xb9: {  	s30 =	sld [smem:$0x0];
	_ =	sdelay $0x2  }
0xba: {  	s31 =	sshll.u32 s1, $0xD;
	s1 =	sshrl.u32 s1, $0x2  }
0xbb: {  	s3 =	sand.u32 $0x4000, s31;
	s1 =	sadd.s32 s1, s30  }
0xbc: {  	s0 =	sor.u32 s3, s0;
	s1 =	sshll.u32 s1, $0x11  }
0xbd: {  	s0 =	sor.u32 s1, s0  }
0xbe: {  	s0 =	sadd.s32 $0x8F2B, s0  }
0xbf: {  	[sflag:s0] =	ssyncadd.remote.s32 $0x1  }
0xc0: {  	_ =	sfence.sel $0xFFFF  }
0xc1: {  	[dreg:$0x0] =	wrdreg $0xFFFFFFFF;
	(pc) =	sbr.abs _section_cstart, $3  }
0xc2: {  	[dreg:$0x1] =	wrdreg $0xFFFFFFFF  }
0xc3: {  	_ =	task.clear_ibuf [dreg:s8], $0x2FFFF;
	_ =	strace $0x9FFFFFFF  }
0xc4: {  	(tm) =	ssettm $0x7FFFFFFF  }
0xc5: {  	_ =	shalt  }
tec
execute0_lowered:
.L_overlay_start_1:
0x0: {  	(tag) =	ssettag $0x1  }
0x1: {  	s0 =	rddreg [dreg:$0x0]  }
0x2: {  	s1 =	rddreg [dreg:$0x1]  }
0x3: {  	s2 =	rddreg [dreg:$0x2];
	s4 =	srdreg.scid  }
0x4: {  	s3 =	simm.s32 $0x0;
	s5 =	stileid.u32;
	s16 =	simm.s32 $0x80  }
0x5: {  	s18 =	simm.s32 $0x8D00;
	s19 =	simm.s32 $0x1;
	s20 =	simm.s32 $0x9D00  }
0x6: {  	s21 =	simm.s32 $0xA100;
	s22 =	simm.s32 $0xA500;
	s23 =	simm.s32 $0xA900  }
0x7: {  	s24 =	simm.s32 $0x2;
	s28 =	simm.s32 $0xB500;
	s29 =	simm.s32 $0xB900  }
0x8: {  	v0 =	vlaneseq.u32;
	s31 =	simm.s32 $0x4;
	s4 =	sand.u32 $0x1, s4;
	[smem:$0x7FF] =	sst s3  }
0x9: {  	v1 =	vimm.s32 $0x0;
	vm0 =	vcmask $0x300;
	s5 =	sshll.u32 s5, $0xB;
	s9 =	sadd.s32 $0x2000, s2;
	s10 =	sadd.s32 $0x3000, s2;
	v0 =	vmul.u32 $0x80, v0  }
0xa: {  	v1 =	vsel vm0, $0x3, v1;
	s6 =	sshll.u32 s4, $0xA;
	_ =	strace $0x80000047;
	s7 =	ssub.s32 $0x2, s4  }
0xb: {  	s4 =	sor.u32 s6, s5;
	s5 =	sadd.s32 $0xF42A00, s1;
	s1 =	sadd.s32 $0x600, s1;
	v2 =	vor.u32 $0x800, v0;
	v3 =	vor.u32 $0x1, v0;
	v4 =	vor.u32 $0x801, v0  }
0xc: {  	s25 =	sshrl.u32 s7, $0x1;
	v5 =	vor.u32 $0x2, v0;
	v6 =	vor.u32 $0x802, v0;
	v7 =	vor.u32 $0x3, v0;
	s8 =	sshrl.u32 s4, $0x3;
	[dreg:$0x4] =	wrdreg s1  }
0xd: {  	v8 =	vor.u32 $0x803, v0;
	v9 =	vor.u32 $0x4, v0;
	v10 =	vor.u32 $0x804, v0;
	s26 =	ssub.s32 s7, s25;
	s25 =	simm.s32 $0xAD00;
	s0 =	sadd.s32 s0, s8  }
0xe: {  	v11 =	vor.u32 $0x5, v0;
	v12 =	vor.u32 $0x805, v0;
	v13 =	vor.u32 $0x6, v0;
	s8 =	sadd.s32 $0x1000, s2;
	s30 =	smax.u32 s26, $0x1;
	[dreg:$0x5] =	wrdreg s0  }
0xf: {  	v14 =	vor.u32 $0x806, v0;
	v15 =	vor.u32 $0x7, v0;
	v16 =	vor.u32 $0x807, v0;
	s26 =	simm.s32 $0xB100;
	[dreg:$0x6] =	wrdreg s30;
	s0 =	simm.s32 $0x0  }
.LBB2_1:
0x10: {  	s1 =	rddreg [dreg:$0x5]  }
0x11: {  	s6 =	simm.s32 $0x400;
	s7 =	simm.s32 $0x8000;
	s14 =	simm.s32 $0x5  }
0x12: {  	[tilespmem:s3], [sflag:$0x5] =	stream.strided.gather [hbm4b:s1+s6], $0x6400, s7, s6, $0x38;
	[tilespmem:$0xBD00] =	vst v63  }
0x13: {  	_ =	swait.ge [sflag:s14], $0x6400  }
0x14: {  	[sflag:s14] =	ssyncset.done $0x0  }
0x15: {  	s17 =	simm.s32 $0x6400;
	s15 =	rddreg [dreg:$0x4];
	[sflag:s14] =	ssyncadd.s32 $0xFFFF9C00  }
0x16: {  	[tilespmem:s17], [sflag:$0x5] =	stream.linear.gather [hbm4b:s15+s3], $0x1900, $0x38;
	[tilespmem:$0xBD00] =	vst v63  }
0x17: {  	_ =	swait.ge [sflag:s14], $0x1900  }
0x18: {  	[sflag:s14] =	ssyncset.done $0x0  }
0x19: {  	s30 =	simm.s32 $0x7D00;
	s1 =	simm.s32 $0x0;
	[sflag:s14] =	ssyncadd.s32 $0xFFFFE700  }
0x1a: {  	[tilespmem:s30], [sflag:$0x1] =	stream.indirect.gather [hbm4b:s5+s16], $0x20, s3, s16, $0xb8;
	[tilespmem:$0xBD00] =	vst v63  }
.LBB2_2:
0x1b: {  	s12 =	sshllo.u32 s1, $0x1  }
0x1c: {  	s6 =	sshll.u32 s1, $0x8;
	s13 =	sshll.u32 s12, $0x7  }
0x1d: {  	s6 =	sand.u32 $0x7C00, s6;
	s7 =	sand.u32 $0x380, s13  }
0x1e: {  	p0 =	seq.s32 s1, $0x0;
	s6 =	sor.u32 s7, s6  }
0x1f: {  	[tilespmem:s18], [sflag:$0x2] =	stream.indirect.gather [hbm4b:s5+s16], $0x20, s6, s16, $0xb8;
	[tilespmem:$0xBD00] =	vst v63  }
0x20: {  	s6 =	simm.s32 @!p0 $0x3  }
0x21: {  	_ =	swait.ge @!p0 [sflag:s6], $0x400  }
0x22: {  	[sflag:s6] =	ssyncset.done @!p0 $0x0  }
0x23: {  	[sflag:s6] =	ssyncadd.s32 @!p0 $0xFFFFFC00  }
0x24: {  	_ =	swait.ge @!p0 [sflag:s6], $0x400  }
0x25: {  	[sflag:s6] =	ssyncset.done @!p0 $0x0  }
0x26: {  	[sflag:s6] =	ssyncadd.s32 @!p0 $0xFFFFFC00  }
0x27: {  	_ =	swait.ge @!p0 [sflag:s6], $0x400  }
0x28: {  	[sflag:s6] =	ssyncset.done @!p0 $0x0  }
0x29: {  	[sflag:s6] =	ssyncadd.s32 @!p0 $0xFFFFFC00  }
0x2a: {  	_ =	swait.ge @!p0 [sflag:s6], $0x400  }
0x2b: {  	[sflag:s6] =	ssyncset.done @!p0 $0x0  }
0x2c: {  	[sflag:s6] =	ssyncadd.s32 @!p0 $0xFFFFFC00  }
0x2d: {  	_ =	swait.ge [sflag:s19], $0x1000  }
0x2e: {  	s30 =	simm.s32 $0x0;
	[sflag:s19] =	ssyncset.done $0x0  }
0x2f: {  	v17 =	vmov s30;
	s6 =	simm.s32 $0x7E00;
	[sflag:s19] =	ssyncadd.s32 $0xFFFFF000  }
0x30: {  	s11 =	sshll.u32 s1, $0x6;
	v17 =	vshrl.u32 v17, $0x3;
	v19 =	vld [tilespmem:s6+$0xFFFFFF10]  }
0x31: {  	s17 =	sand.u32 $0x3FFFFFC0, s11;
	v17 =	vshll.u32 v17, v1;
	v20 =	vld [tilespmem:s6+$0xFFFFFF00]  }
0x32: {  	v21 =	vbroadcast v17, $0x0;
	v18 =	vld [tilespmem:s17+$0x6400]  }
0x33: {  	v17 =	vld [tilespmem:s17+$0x6410]  }
0x34: {  	v22 =	vor.u32 v0, v21  }
0x35: {  	v21 =	vor.u32 v2, v21;
	_ =	sdelay $0x1  }
0x36: {  	s14 =	simm.s32 $0x1;
	v20 =	vadd.f32 v20, v18  }
0x37: {  	v23 =	vmov s14;
	v19 =	vadd.f32 v19, v17  }
0x38: {  	[tilespmem:v22+s20+$0x0] =	vst.idx.msk $0xffff, v20;
	v20 =	vshrl.u32 v23, $0x3  }
0x39: {  	[tilespmem:v21+s20+$0x0] =	vst.idx.msk $0xffff, v19;
	v19 =	vshll.u32 v20, v1  }
0x3a: {  	v20 =	vld [tilespmem:s6+$0xFFFFFF20];
	v19 =	vbroadcast v19, $0x0  }
0x3b: {  	v21 =	vld [tilespmem:s6+$0xFFFFFF30]  }
0x3c: {  	v35 =	vadd.s32 v3, v19  }
0x3d: {  	v19 =	vadd.s32 v4, v19;
	_ =	sdelay $0x1  }
0x3e: {  	s15 =	simm.s32 $0x2;
	v20 =	vadd.f32 v20, v18  }
0x3f: {  	v36 =	vmov s15;
	v21 =	vadd.f32 v21, v17  }
0x40: {  	[tilespmem:v35+s20+$0x0] =	vst.idx.msk $0xffff, v20;
	v20 =	vshrl.u32 v36, $0x3  }
0x41: {  	[tilespmem:v19+s20+$0x0] =	vst.idx.msk $0xffff, v21;
	v19 =	vshll.u32 v20, v1  }
0x42: {  	v20 =	vld [tilespmem:s6+$0xFFFFFF40];
	v19 =	vbroadcast v19, $0x0  }
0x43: {  	v21 =	vld [tilespmem:s6+$0xFFFFFF50]  }
0x44: {  	v37 =	vadd.s32 v5, v19  }
0x45: {  	v19 =	vadd.s32 v6, v19;
	_ =	sdelay $0x1  }
0x46: {  	s30 =	simm.s32 $0x3;
	v20 =	vadd.f32 v20, v18  }
0x47: {  	v38 =	vmov s30;
	v21 =	vadd.f32 v21, v17  }
0x48: {  	[tilespmem:v37+s20+$0x0] =	vst.idx.msk $0xffff, v20;
	v20 =	vshrl.u32 v38, $0x3  }
0x49: {  	[tilespmem:v19+s20+$0x0] =	vst.idx.msk $0xffff, v21;
	v19 =	vshll.u32 v20, v1  }
0x4a: {  	v20 =	vld [tilespmem:s6+$0xFFFFFF60];
	v19 =	vbroadcast v19, $0x0  }
0x4b: {  	v21 =	vld [tilespmem:s6+$0xFFFFFF70]  }
0x4c: {  	v39 =	vadd.s32 v7, v19  }
0x4d: {  	v19 =	vadd.s32 v8, v19;
	_ =	sdelay $0x1  }
0x4e: {  	s11 =	simm.s32 $0x4;
	v20 =	vadd.f32 v20, v18  }
0x4f: {  	v40 =	vmov s11;
	v21 =	vadd.f32 v21, v17  }
0x50: {  	[tilespmem:v39+s20+$0x0] =	vst.idx.msk $0xffff, v20;
	v20 =	vshrl.u32 v40, $0x3  }
0x51: {  	[tilespmem:v19+s20+$0x0] =	vst.idx.msk $0xffff, v21;
	v19 =	vshll.u32 v20, v1  }
0x52: {  	v20 =	vld [tilespmem:s6+$0xFFFFFF80];
	v19 =	vbroadcast v19, $0x0  }
0x53: {  	v21 =	vld [tilespmem:s6+$0xFFFFFF90]  }
0x54: {  	v41 =	vadd.s32 v9, v19  }
0x55: {  	v19 =	vadd.s32 v10, v19;
	_ =	sdelay $0x1  }
0x56: {  	s14 =	simm.s32 $0x5;
	v20 =	vadd.f32 v20, v18  }
0x57: {  	v42 =	vmov s14;
	v21 =	vadd.f32 v21, v17  }
0x58: {  	[tilespmem:v41+s20+$0x0] =	vst.idx.msk $0xffff, v20;
	v20 =	vshrl.u32 v42, $0x3  }
0x59: {  	[tilespmem:v19+s20+$0x0] =	vst.idx.msk $0xffff, v21;
	v19 =	vshll.u32 v20, v1  }
0x5a: {  	v20 =	vld [tilespmem:s6+$0xFFFFFFA0];
	v19 =	vbroadcast v19, $0x0  }
0x5b: {  	v21 =	vld [tilespmem:s6+$0xFFFFFFB0]  }
0x5c: {  	v43 =	vadd.s32 v11, v19  }
0x5d: {  	v19 =	vadd.s32 v12, v19;
	_ =	sdelay $0x1  }
0x5e: {  	s15 =	simm.s32 $0x6;
	v20 =	vadd.f32 v20, v18  }
0x5f: {  	v44 =	vmov s15;
	v21 =	vadd.f32 v21, v17  }
0x60: {  	[tilespmem:v43+s20+$0x0] =	vst.idx.msk $0xffff, v20;
	v20 =	vshrl.u32 v44, $0x3  }
0x61: {  	[tilespmem:v19+s20+$0x0] =	vst.idx.msk $0xffff, v21;
	v19 =	vshll.u32 v20, v1  }
0x62: {  	v20 =	vld [tilespmem:s6+$0xFFFFFFC0];
	v19 =	vbroadcast v19, $0x0  }
0x63: {  	v21 =	vld [tilespmem:s6+$0xFFFFFFD0]  }
0x64: {  	v45 =	vadd.s32 v13, v19  }
0x65: {  	v19 =	vadd.s32 v14, v19;
	_ =	sdelay $0x1  }
0x66: {  	s30 =	simm.s32 $0x7;
	v20 =	vadd.f32 v20, v18  }
0x67: {  	v46 =	vmov s30;
	v21 =	vadd.f32 v21, v17  }
0x68: {  	[tilespmem:v45+s20+$0x0] =	vst.idx.msk $0xffff, v20;
	v20 =	vshrl.u32 v46, $0x3  }
0x69: {  	[tilespmem:v19+s20+$0x0] =	vst.idx.msk $0xffff, v21;
	v19 =	vshll.u32 v20, v1  }
0x6a: {  	v20 =	vld [tilespmem:s6+$0xFFFFFFE0];
	v19 =	vbroadcast v19, $0x0  }
0x6b: {  	v21 =	vld [tilespmem:s6+$0xFFFFFFF0]  }
0x6c: {  	v47 =	vadd.s32 v15, v19  }
0x6d: {  	v19 =	vadd.s32 v16, v19;
	_ =	sdelay $0x1  }
0x6e: {  	s11 =	simm.s32 $0x8;
	v20 =	vadd.f32 v20, v18  }
0x6f: {  	v48 =	vmov s11;
	v21 =	vadd.f32 v21, v17  }
0x70: {  	[tilespmem:v47+s20+$0x0] =	vst.idx.msk $0xffff, v20;
	v20 =	vshrl.u32 v48, $0x3  }
0x71: {  	[tilespmem:v19+s20+$0x0] =	vst.idx.msk $0xffff, v21;
	v19 =	vshll.u32 v20, v1  }
0x72: {  	v20 =	vld [tilespmem:s6+$0x0];
	v19 =	vbroadcast v19, $0x0  }
0x73: {  	v21 =	vld [tilespmem:s6+$0x10]  }
0x74: {  	v49 =	vadd.s32 v0, v19  }
0x75: {  	v19 =	vadd.s32 v2, v19;
	_ =	sdelay $0x1  }
0x76: {  	s14 =	simm.s32 $0x9;
	v20 =	vadd.f32 v20, v18  }
0x77: {  	v50 =	vmov s14;
	v21 =	vadd.f32 v21, v17  }
0x78: {  	[tilespmem:v49+s20+$0x0] =	vst.idx.msk $0xffff, v20;
	v20 =	vshrl.u32 v50, $0x3  }
0x79: {  	[tilespmem:v19+s20+$0x0] =	vst.idx.msk $0xffff, v21;
	v19 =	vshll.u32 v20, v1  }
0x7a: {  	v20 =	vld [tilespmem:s6+$0x20];
	v19 =	vbroadcast v19, $0x0  }
0x7b: {  	v21 =	vld [tilespmem:s6+$0x30]  }
0x7c: {  	v51 =	vadd.s32 v3, v19  }
0x7d: {  	v19 =	vadd.s32 v4, v19;
	_ =	sdelay $0x1  }
0x7e: {  	s15 =	simm.s32 $0xA;
	v20 =	vadd.f32 v20, v18  }
0x7f: {  	v52 =	vmov s15;
	v21 =	vadd.f32 v21, v17  }
0x80: {  	[tilespmem:v51+s20+$0x0] =	vst.idx.msk $0xffff, v20;
	v20 =	vshrl.u32 v52, $0x3  }
0x81: {  	[tilespmem:v19+s20+$0x0] =	vst.idx.msk $0xffff, v21;
	v19 =	vshll.u32 v20, v1  }
0x82: {  	v20 =	vld [tilespmem:s6+$0x40];
	v19 =	vbroadcast v19, $0x0  }
0x83: {  	v21 =	vld [tilespmem:s6+$0x50]  }
0x84: {  	v53 =	vadd.s32 v5, v19  }
0x85: {  	v19 =	vadd.s32 v6, v19;
	_ =	sdelay $0x1  }
0x86: {  	s30 =	simm.s32 $0xB;
	v20 =	vadd.f32 v20, v18  }
0x87: {  	v54 =	vmov s30;
	v21 =	vadd.f32 v21, v17  }
0x88: {  	[tilespmem:v53+s20+$0x0] =	vst.idx.msk $0xffff, v20;
	v20 =	vshrl.u32 v54, $0x3  }
0x89: {  	[tilespmem:v19+s20+$0x0] =	vst.idx.msk $0xffff, v21;
	v19 =	vshll.u32 v20, v1  }
0x8a: {  	v20 =	vld [tilespmem:s6+$0x60];
	v19 =	vbroadcast v19, $0x0  }
0x8b: {  	v21 =	vld [tilespmem:s6+$0x70]  }
0x8c: {  	v55 =	vadd.s32 v7, v19  }
0x8d: {  	v19 =	vadd.s32 v8, v19;
	_ =	sdelay $0x1  }
0x8e: {  	s11 =	simm.s32 $0xC;
	v20 =	vadd.f32 v20, v18  }
0x8f: {  	v56 =	vmov s11;
	v21 =	vadd.f32 v21, v17  }
0x90: {  	[tilespmem:v55+s20+$0x0] =	vst.idx.msk $0xffff, v20;
	v20 =	vshrl.u32 v56, $0x3  }
0x91: {  	[tilespmem:v19+s20+$0x0] =	vst.idx.msk $0xffff, v21;
	v19 =	vshll.u32 v20, v1  }
0x92: {  	v20 =	vld [tilespmem:s6+$0x80];
	v19 =	vbroadcast v19, $0x0  }
0x93: {  	v21 =	vld [tilespmem:s6+$0x90]  }
0x94: {  	v57 =	vadd.s32 v9, v19  }
0x95: {  	v19 =	vadd.s32 v10, v19;
	_ =	sdelay $0x1  }
0x96: {  	s14 =	simm.s32 $0xD;
	v20 =	vadd.f32 v20, v18  }
0x97: {  	v58 =	vmov s14;
	v21 =	vadd.f32 v21, v17  }
0x98: {  	[tilespmem:v57+s20+$0x0] =	vst.idx.msk $0xffff, v20;
	v20 =	vshrl.u32 v58, $0x3  }
0x99: {  	[tilespmem:v19+s20+$0x0] =	vst.idx.msk $0xffff, v21;
	v19 =	vshll.u32 v20, v1  }
0x9a: {  	v20 =	vld [tilespmem:s6+$0xA0];
	v19 =	vbroadcast v19, $0x0  }
0x9b: {  	v21 =	vld [tilespmem:s6+$0xB0]  }
0x9c: {  	v59 =	vadd.s32 v11, v19  }
0x9d: {  	v19 =	vadd.s32 v12, v19;
	_ =	sdelay $0x1  }
0x9e: {  	s15 =	simm.s32 $0xE;
	v20 =	vadd.f32 v20, v18  }
0x9f: {  	v60 =	vmov s15;
	v21 =	vadd.f32 v21, v17  }
0xa0: {  	[tilespmem:v59+s20+$0x0] =	vst.idx.msk $0xffff, v20;
	v20 =	vshrl.u32 v60, $0x3  }
0xa1: {  	[tilespmem:v19+s20+$0x0] =	vst.idx.msk $0xffff, v21;
	v19 =	vshll.u32 v20, v1  }
0xa2: {  	v20 =	vld [tilespmem:s6+$0xC0];
	v19 =	vbroadcast v19, $0x0  }
0xa3: {  	v21 =	vld [tilespmem:s6+$0xD0]  }
0xa4: {  	v61 =	vadd.s32 v13, v19  }
0xa5: {  	v19 =	vadd.s32 v14, v19;
	_ =	sdelay $0x1  }
0xa6: {  	s30 =	simm.s32 $0xF;
	v20 =	vadd.f32 v20, v18  }
0xa7: {  	v62 =	vmov s30;
	v21 =	vadd.f32 v21, v17  }
0xa8: {  	[tilespmem:v61+s20+$0x0] =	vst.idx.msk $0xffff, v20;
	v20 =	vshrl.u32 v62, $0x3  }
0xa9: {  	[tilespmem:v19+s20+$0x0] =	vst.idx.msk $0xffff, v21;
	v19 =	vshll.u32 v20, v1  }
0xaa: {  	v20 =	vld [tilespmem:s6+$0xE0];
	v19 =	vbroadcast v19, $0x0;
	_ =	sdelay $0x1  }
0xab: {  	v21 =	vld [tilespmem:s6+$0xF0];
	v63 =	vadd.s32 v15, v19;
	_ =	sdelay $0x1  }
0xac: {  	v19 =	vadd.s32 v16, v19  }
0xad: {  	v18 =	vadd.f32 v20, v18  }
0xae: {  	s7 =	simm.s32 $0x1F  }
0xaf: {  	s15 =	sshll.u32 s1, $0x1;
	s11 =	simm.s32 $0x2F;
	s14 =	simm.s32 $0x10;
	v17 =	vadd.f32 v21, v17;
	[tilespmem:v63+s20+$0x0] =	vst.idx.msk $0xffff, v18  }
.LBB2_3:
0xb0: {  	p0 =	sne.s32 s11, $0x7F  }
0xb1: {  	v18 =	vmov s14;
	[tilespmem:v19+s20+$0x0] =	vst.idx.msk $0xffff, v17;
	s6 =	sadd.s32 $0x200, s6;
	s14 =	smov.u32 s11;
	s11 =	sadd.s32 $0x10, s11  }
0xb2: {  	v19 =	vld [tilespmem:s6+$0xFFFFFF10];
	v17 =	vshrl.u32 v18, $0x3  }
0xb3: {  	v20 =	vld [tilespmem:s6+$0xFFFFFF00];
	v18 =	vshll.u32 v17, v1  }
0xb4: {  	v17 =	vld [tilespmem:s17+$0x6400];
	v21 =	vbroadcast v18, $0x0  }
0xb5: {  	v18 =	vld [tilespmem:s17+$0x6410]  }
0xb6: {  	v22 =	vor.u32 v0, v21  }
0xb7: {  	v21 =	vor.u32 v2, v21;
	_ =	sdelay $0x1  }
0xb8: {  	s30 =	sadd.s32 $0xFFFFFFF2, s7;
	v20 =	vadd.f32 v20, v17  }
0xb9: {  	v23 =	vmov s30;
	v19 =	vadd.f32 v19, v18  }
0xba: {  	[tilespmem:v22+s20+$0x0] =	vst.idx.msk $0xffff, v20;
	v20 =	vshrl.u32 v23, $0x3  }
0xbb: {  	[tilespmem:v21+s20+$0x0] =	vst.idx.msk $0xffff, v19;
	v19 =	vshll.u32 v20, v1  }
0xbc: {  	v20 =	vld [tilespmem:s6+$0xFFFFFF20];
	v19 =	vbroadcast v19, $0x0  }
0xbd: {  	v21 =	vld [tilespmem:s6+$0xFFFFFF30]  }
0xbe: {  	v22 =	vadd.s32 v3, v19  }
0xbf: {  	v19 =	vadd.s32 v4, v19;
	_ =	sdelay $0x1  }
0xc0: {  	s30 =	sadd.s32 $0xFFFFFFF3, s7;
	v20 =	vadd.f32 v20, v17  }
0xc1: {  	v23 =	vmov s30;
	v21 =	vadd.f32 v21, v18  }
0xc2: {  	[tilespmem:v22+s20+$0x0] =	vst.idx.msk $0xffff, v20;
	v20 =	vshrl.u32 v23, $0x3  }
0xc3: {  	[tilespmem:v19+s20+$0x0] =	vst.idx.msk $0xffff, v21;
	v19 =	vshll.u32 v20, v1  }
0xc4: {  	v20 =	vld [tilespmem:s6+$0xFFFFFF40];
	v19 =	vbroadcast v19, $0x0  }
0xc5: {  	v21 =	vld [tilespmem:s6+$0xFFFFFF50]  }
0xc6: {  	v22 =	vadd.s32 v5, v19  }
0xc7: {  	v19 =	vadd.s32 v6, v19;
	_ =	sdelay $0x1  }
0xc8: {  	s30 =	sadd.s32 $0xFFFFFFF4, s7;
	v20 =	vadd.f32 v20, v17  }
0xc9: {  	v23 =	vmov s30;
	v21 =	vadd.f32 v21, v18  }
0xca: {  	[tilespmem:v22+s20+$0x0] =	vst.idx.msk $0xffff, v20;
	v20 =	vshrl.u32 v23, $0x3  }
0xcb: {  	[tilespmem:v19+s20+$0x0] =	vst.idx.msk $0xffff, v21;
	v19 =	vshll.u32 v20, v1  }
0xcc: {  	v20 =	vld [tilespmem:s6+$0xFFFFFF60];
	v19 =	vbroadcast v19, $0x0  }
0xcd: {  	v21 =	vld [tilespmem:s6+$0xFFFFFF70]  }
0xce: {  	v22 =	vadd.s32 v7, v19  }
0xcf: {  	v19 =	vadd.s32 v8, v19;
	_ =	sdelay $0x1  }
0xd0: {  	s30 =	sadd.s32 $0xFFFFFFF5, s7;
	v20 =	vadd.f32 v20, v17  }
0xd1: {  	v23 =	vmov s30;
	v21 =	vadd.f32 v21, v18  }
0xd2: {  	[tilespmem:v22+s20+$0x0] =	vst.idx.msk $0xffff, v20;
	v20 =	vshrl.u32 v23, $0x3  }
0xd3: {  	[tilespmem:v19+s20+$0x0] =	vst.idx.msk $0xffff, v21;
	v19 =	vshll.u32 v20, v1  }
0xd4: {  	v20 =	vld [tilespmem:s6+$0xFFFFFF80];
	v19 =	vbroadcast v19, $0x0  }
0xd5: {  	v21 =	vld [tilespmem:s6+$0xFFFFFF90]  }
0xd6: {  	v22 =	vadd.s32 v9, v19  }
0xd7: {  	v19 =	vadd.s32 v10, v19;
	_ =	sdelay $0x1  }
0xd8: {  	s30 =	sadd.s32 $0xFFFFFFF6, s7;
	v20 =	vadd.f32 v20, v17  }
0xd9: {  	v23 =	vmov s30;
	v21 =	vadd.f32 v21, v18  }
0xda: {  	[tilespmem:v22+s20+$0x0] =	vst.idx.msk $0xffff, v20;
	v20 =	vshrl.u32 v23, $0x3  }
0xdb: {  	[tilespmem:v19+s20+$0x0] =	vst.idx.msk $0xffff, v21;
	v19 =	vshll.u32 v20, v1  }
0xdc: {  	v20 =	vld [tilespmem:s6+$0xFFFFFFA0];
	v19 =	vbroadcast v19, $0x0  }
0xdd: {  	v21 =	vld [tilespmem:s6+$0xFFFFFFB0]  }
0xde: {  	v22 =	vadd.s32 v11, v19  }
0xdf: {  	v19 =	vadd.s32 v12, v19;
	_ =	sdelay $0x1  }
0xe0: {  	s30 =	sadd.s32 $0xFFFFFFF7, s7;
	v20 =	vadd.f32 v20, v17  }
0xe1: {  	v23 =	vmov s30;
	v21 =	vadd.f32 v21, v18  }
0xe2: {  	[tilespmem:v22+s20+$0x0] =	vst.idx.msk $0xffff, v20;
	v20 =	vshrl.u32 v23, $0x3  }
0xe3: {  	[tilespmem:v19+s20+$0x0] =	vst.idx.msk $0xffff, v21;
	v19 =	vshll.u32 v20, v1  }
0xe4: {  	v20 =	vld [tilespmem:s6+$0xFFFFFFC0];
	v19 =	vbroadcast v19, $0x0  }
0xe5: {  	v21 =	vld [tilespmem:s6+$0xFFFFFFD0]  }
0xe6: {  	v22 =	vadd.s32 v13, v19  }
0xe7: {  	v19 =	vadd.s32 v14, v19;
	_ =	sdelay $0x1  }
0xe8: {  	s30 =	sadd.s32 $0xFFFFFFF8, s7;
	v20 =	vadd.f32 v20, v17  }
0xe9: {  	v23 =	vmov s30;
	v21 =	vadd.f32 v21, v18  }
0xea: {  	[tilespmem:v22+s20+$0x0] =	vst.idx.msk $0xffff, v20;
	v20 =	vshrl.u32 v23, $0x3  }
0xeb: {  	[tilespmem:v19+s20+$0x0] =	vst.idx.msk $0xffff, v21;
	v19 =	vshll.u32 v20, v1  }
0xec: {  	v20 =	vld [tilespmem:s6+$0xFFFFFFE0];
	v19 =	vbroadcast v19, $0x0  }
0xed: {  	v21 =	vld [tilespmem:s6+$0xFFFFFFF0]  }
0xee: {  	v22 =	vadd.s32 v15, v19  }
0xef: {  	v19 =	vadd.s32 v16, v19;
	_ =	sdelay $0x1  }
0xf0: {  	s30 =	sadd.s32 $0xFFFFFFF9, s7;
	v20 =	vadd.f32 v20, v17  }
0xf1: {  	v23 =	vmov s30;
	v21 =	vadd.f32 v21, v18  }
0xf2: {  	[tilespmem:v22+s20+$0x0] =	vst.idx.msk $0xffff, v20;
	v20 =	vshrl.u32 v23, $0x3  }
0xf3: {  	[tilespmem:v19+s20+$0x0] =	vst.idx.msk $0xffff, v21;
	v19 =	vshll.u32 v20, v1  }
0xf4: {  	v20 =	vld [tilespmem:s6+$0x0];
	v19 =	vbroadcast v19, $0x0  }
0xf5: {  	v21 =	vld [tilespmem:s6+$0x10]  }
0xf6: {  	v22 =	vadd.s32 v0, v19  }
0xf7: {  	v19 =	vadd.s32 v2, v19;
	_ =	sdelay $0x1  }
0xf8: {  	s30 =	sadd.s32 $0xFFFFFFFA, s7;
	v20 =	vadd.f32 v20, v17  }
0xf9: {  	v23 =	vmov s30;
	v21 =	vadd.f32 v21, v18  }
0xfa: {  	[tilespmem:v22+s20+$0x0] =	vst.idx.msk $0xffff, v20;
	v20 =	vshrl.u32 v23, $0x3  }
0xfb: {  	[tilespmem:v19+s20+$0x0] =	vst.idx.msk $0xffff, v21;
	v19 =	vshll.u32 v20, v1  }
0xfc: {  	v20 =	vld [tilespmem:s6+$0x20];
	v19 =	vbroadcast v19, $0x0  }
0xfd: {  	v21 =	vld [tilespmem:s6+$0x30]  }
0xfe: {  	v22 =	vadd.s32 v3, v19  }
0xff: {  	v19 =	vadd.s32 v4, v19;
	_ =	sdelay $0x1  }
0x100: {  	s30 =	sadd.s32 $0xFFFFFFFB, s7;
	v20 =	vadd.f32 v20, v17  }
0x101: {  	v23 =	vmov s30;
	v21 =	vadd.f32 v21, v18  }
0x102: {  	[tilespmem:v22+s20+$0x0] =	vst.idx.msk $0xffff, v20;
	v20 =	vshrl.u32 v23, $0x3  }
0x103: {  	[tilespmem:v19+s20+$0x0] =	vst.idx.msk $0xffff, v21;
	v19 =	vshll.u32 v20, v1  }
0x104: {  	v20 =	vld [tilespmem:s6+$0x40];
	v19 =	vbroadcast v19, $0x0  }
0x105: {  	v21 =	vld [tilespmem:s6+$0x50]  }
0x106: {  	v22 =	vadd.s32 v5, v19  }
0x107: {  	v19 =	vadd.s32 v6, v19;
	_ =	sdelay $0x1  }
0x108: {  	s30 =	sadd.s32 $0xFFFFFFFC, s7;
	v20 =	vadd.f32 v20, v17  }
0x109: {  	v23 =	vmov s30;
	v21 =	vadd.f32 v21, v18  }
0x10a: {  	[tilespmem:v22+s20+$0x0] =	vst.idx.msk $0xffff, v20;
	v20 =	vshrl.u32 v23, $0x3  }
0x10b: {  	[tilespmem:v19+s20+$0x0] =	vst.idx.msk $0xffff, v21;
	v19 =	vshll.u32 v20, v1  }
0x10c: {  	v20 =	vld [tilespmem:s6+$0x60];
	v19 =	vbroadcast v19, $0x0  }
0x10d: {  	v21 =	vld [tilespmem:s6+$0x70]  }
0x10e: {  	v22 =	vadd.s32 v7, v19  }
0x10f: {  	v19 =	vadd.s32 v8, v19;
	_ =	sdelay $0x1  }
0x110: {  	s30 =	sadd.s32 $0xFFFFFFFD, s7;
	v20 =	vadd.f32 v20, v17  }
0x111: {  	v23 =	vmov s30;
	v21 =	vadd.f32 v21, v18  }
0x112: {  	[tilespmem:v22+s20+$0x0] =	vst.idx.msk $0xffff, v20;
	v20 =	vshrl.u32 v23, $0x3  }
0x113: {  	[tilespmem:v19+s20+$0x0] =	vst.idx.msk $0xffff, v21;
	v19 =	vshll.u32 v20, v1  }
0x114: {  	v20 =	vld [tilespmem:s6+$0x80];
	v19 =	vbroadcast v19, $0x0  }
0x115: {  	v21 =	vld [tilespmem:s6+$0x90]  }
0x116: {  	v22 =	vadd.s32 v9, v19  }
0x117: {  	v19 =	vadd.s32 v10, v19;
	_ =	sdelay $0x1  }
0x118: {  	s30 =	sadd.s32 $0xFFFFFFFE, s7;
	v20 =	vadd.f32 v20, v17  }
0x119: {  	v23 =	vmov s30;
	v21 =	vadd.f32 v21, v18  }
0x11a: {  	[tilespmem:v22+s20+$0x0] =	vst.idx.msk $0xffff, v20;
	v20 =	vshrl.u32 v23, $0x3  }
0x11b: {  	[tilespmem:v19+s20+$0x0] =	vst.idx.msk $0xffff, v21;
	v19 =	vshll.u32 v20, v1  }
0x11c: {  	v20 =	vld [tilespmem:s6+$0xA0];
	v19 =	vbroadcast v19, $0x0  }
0x11d: {  	v21 =	vld [tilespmem:s6+$0xB0]  }
0x11e: {  	v22 =	vadd.s32 v11, v19  }
0x11f: {  	v19 =	vadd.s32 v12, v19;
	_ =	sdelay $0x1  }
0x120: {  	s30 =	sadd.s32 $0xFFFFFFFF, s7;
	v20 =	vadd.f32 v20, v17  }
0x121: {  	v23 =	vmov s30;
	v21 =	vadd.f32 v21, v18  }
0x122: {  	[tilespmem:v22+s20+$0x0] =	vst.idx.msk $0xffff, v20;
	v20 =	vshrl.u32 v23, $0x3  }
0x123: {  	[tilespmem:v19+s20+$0x0] =	vst.idx.msk $0xffff, v21;
	v19 =	vshll.u32 v20, v1  }
0x124: {  	v20 =	vld [tilespmem:s6+$0xC0];
	v19 =	vbroadcast v19, $0x0  }
0x125: {  	v21 =	vld [tilespmem:s6+$0xD0]  }
0x126: {  	v22 =	vadd.s32 v13, v19  }
0x127: {  	v19 =	vadd.s32 v14, v19;
	_ =	sdelay $0x1  }
0x128: {  	v20 =	vadd.f32 v20, v17  }
0x129: {  	v23 =	vmov s7;
	s7 =	smov.u32 s14;
	v21 =	vadd.f32 v21, v18  }
0x12a: {  	[tilespmem:v22+s20+$0x0] =	vst.idx.msk $0xffff, v20;
	v20 =	vshrl.u32 v23, $0x3  }
0x12b: {  	[tilespmem:v19+s20+$0x0] =	vst.idx.msk $0xffff, v21;
	v19 =	vshll.u32 v20, v1  }
0x12c: {  	v20 =	vld [tilespmem:s6+$0xE0];
	v19 =	vbroadcast v19, $0x0  }
0x12d: {  	v21 =	vld [tilespmem:s6+$0xF0]  }
0x12e: {  	v22 =	vadd.s32 v15, v19  }
.Ltmp0:
0x12f: {  	v19 =	vadd.s32 v16, v19;
	(pc) =	sbr.rel @p0 .LBB2_3-.Ltmp0, $4  }
0x130: {  	_ = 	snop  }
0x131: {  	v20 =	vadd.f32 v20, v17  }
0x132: {  	v17 =	vadd.f32 v21, v18  }
0x133: {  	s14 =	sadd.s32 $0xFFFFFFF1, s7;
	[tilespmem:v22+s20+$0x0] =	vst.idx.msk $0xffff, v20  }
0x134: {  	_ =	sdelay $0x3  }
0x135: {  	v18 =	vmov s14;
	[tilespmem:v19+s20+$0x0] =	vst.idx.msk $0xffff, v17;
	s6 =	sadd.s32 $0x200, s6  }
0x136: {  	v19 =	vld [tilespmem:s6+$0xFFFFFF10];
	v17 =	vshrl.u32 v18, $0x3  }
0x137: {  	v20 =	vld [tilespmem:s6+$0xFFFFFF00];
	v18 =	vshll.u32 v17, v1  }
0x138: {  	v17 =	vld [tilespmem:s17+$0x6400];
	v21 =	vbroadcast v18, $0x0  }
0x139: {  	v18 =	vld [tilespmem:s17+$0x6410]  }
0x13a: {  	v22 =	vor.u32 v0, v21  }
0x13b: {  	v21 =	vor.u32 v2, v21;
	_ =	sdelay $0x1  }
0x13c: {  	s11 =	sadd.s32 $0xFFFFFFF2, s7;
	v20 =	vadd.f32 v20, v17  }
0x13d: {  	v23 =	vmov s11;
	v19 =	vadd.f32 v19, v18  }
0x13e: {  	[tilespmem:v22+s20+$0x0] =	vst.idx.msk $0xffff, v20;
	v20 =	vshrl.u32 v23, $0x3  }
0x13f: {  	[tilespmem:v21+s20+$0x0] =	vst.idx.msk $0xffff, v19;
	v19 =	vshll.u32 v20, v1  }
0x140: {  	v20 =	vld [tilespmem:s6+$0xFFFFFF20];
	v19 =	vbroadcast v19, $0x0  }
0x141: {  	v21 =	vld [tilespmem:s6+$0xFFFFFF30]  }
0x142: {  	v43 =	vadd.s32 v3, v19  }
0x143: {  	v19 =	vadd.s32 v4, v19;
	_ =	sdelay $0x1  }
0x144: {  	s30 =	sadd.s32 $0xFFFFFFF3, s7;
	v20 =	vadd.f32 v20, v17  }
0x145: {  	v44 =	vmov s30;
	v21 =	vadd.f32 v21, v18  }
0x146: {  	[tilespmem:v43+s20+$0x0] =	vst.idx.msk $0xffff, v20;
	v20 =	vshrl.u32 v44, $0x3  }
0x147: {  	[tilespmem:v19+s20+$0x0] =	vst.idx.msk $0xffff, v21;
	v19 =	vshll.u32 v20, v1  }
0x148: {  	v20 =	vld [tilespmem:s6+$0xFFFFFF40];
	v19 =	vbroadcast v19, $0x0  }
0x149: {  	v21 =	vld [tilespmem:s6+$0xFFFFFF50]  }
0x14a: {  	v45 =	vadd.s32 v5, v19  }
0x14b: {  	v19 =	vadd.s32 v6, v19;
	_ =	sdelay $0x1  }
0x14c: {  	s14 =	sadd.s32 $0xFFFFFFF4, s7;
	v20 =	vadd.f32 v20, v17  }
0x14d: {  	v46 =	vmov s14;
	v21 =	vadd.f32 v21, v18  }
0x14e: {  	[tilespmem:v45+s20+$0x0] =	vst.idx.msk $0xffff, v20;
	v20 =	vshrl.u32 v46, $0x3  }
0x14f: {  	[tilespmem:v19+s20+$0x0] =	vst.idx.msk $0xffff, v21;
	v19 =	vshll.u32 v20, v1  }
0x150: {  	v20 =	vld [tilespmem:s6+$0xFFFFFF60];
	v19 =	vbroadcast v19, $0x0  }
0x151: {  	v21 =	vld [tilespmem:s6+$0xFFFFFF70]  }
0x152: {  	v47 =	vadd.s32 v7, v19  }
0x153: {  	v19 =	vadd.s32 v8, v19;
	_ =	sdelay $0x1  }
0x154: {  	s17 =	sadd.s32 $0xFFFFFFF5, s7;
	v20 =	vadd.f32 v20, v17  }
0x155: {  	v48 =	vmov s17;
	v21 =	vadd.f32 v21, v18  }
0x156: {  	[tilespmem:v47+s20+$0x0] =	vst.idx.msk $0xffff, v20;
	v20 =	vshrl.u32 v48, $0x3  }
0x157: {  	[tilespmem:v19+s20+$0x0] =	vst.idx.msk $0xffff, v21;
	v19 =	vshll.u32 v20, v1  }
0x158: {  	v20 =	vld [tilespmem:s6+$0xFFFFFF80];
	v19 =	vbroadcast v19, $0x0  }
0x159: {  	v21 =	vld [tilespmem:s6+$0xFFFFFF90]  }
0x15a: {  	v49 =	vadd.s32 v9, v19  }
0x15b: {  	v19 =	vadd.s32 v10, v19;
	_ =	sdelay $0x1  }
0x15c: {  	s30 =	sadd.s32 $0xFFFFFFF6, s7;
	v20 =	vadd.f32 v20, v17  }
0x15d: {  	v50 =	vmov s30;
	v21 =	vadd.f32 v21, v18  }
0x15e: {  	[tilespmem:v49+s20+$0x0] =	vst.idx.msk $0xffff, v20;
	v20 =	vshrl.u32 v50, $0x3  }
0x15f: {  	[tilespmem:v19+s20+$0x0] =	vst.idx.msk $0xffff, v21;
	v19 =	vshll.u32 v20, v1  }
0x160: {  	v20 =	vld [tilespmem:s6+$0xFFFFFFA0];
	v19 =	vbroadcast v19, $0x0  }
0x161: {  	v21 =	vld [tilespmem:s6+$0xFFFFFFB0]  }
0x162: {  	v51 =	vadd.s32 v11, v19  }
0x163: {  	v19 =	vadd.s32 v12, v19;
	_ =	sdelay $0x1  }
0x164: {  	s14 =	sadd.s32 $0xFFFFFFF7, s7;
	v20 =	vadd.f32 v20, v17  }
0x165: {  	v52 =	vmov s14;
	v21 =	vadd.f32 v21, v18  }
0x166: {  	[tilespmem:v51+s20+$0x0] =	vst.idx.msk $0xffff, v20;
	v20 =	vshrl.u32 v52, $0x3  }
0x167: {  	[tilespmem:v19+s20+$0x0] =	vst.idx.msk $0xffff, v21;
	v19 =	vshll.u32 v20, v1  }
0x168: {  	v20 =	vld [tilespmem:s6+$0xFFFFFFC0];
	v19 =	vbroadcast v19, $0x0  }
0x169: {  	v21 =	vld [tilespmem:s6+$0xFFFFFFD0]  }
0x16a: {  	v53 =	vadd.s32 v13, v19  }
0x16b: {  	v19 =	vadd.s32 v14, v19;
	_ =	sdelay $0x1  }
0x16c: {  	s17 =	sadd.s32 $0xFFFFFFF8, s7;
	v20 =	vadd.f32 v20, v17  }
0x16d: {  	v54 =	vmov s17;
	v21 =	vadd.f32 v21, v18  }
0x16e: {  	[tilespmem:v53+s20+$0x0] =	vst.idx.msk $0xffff, v20;
	v20 =	vshrl.u32 v54, $0x3  }
0x16f: {  	[tilespmem:v19+s20+$0x0] =	vst.idx.msk $0xffff, v21;
	v19 =	vshll.u32 v20, v1  }
0x170: {  	v20 =	vld [tilespmem:s6+$0xFFFFFFE0];
	v19 =	vbroadcast v19, $0x0  }
0x171: {  	v21 =	vld [tilespmem:s6+$0xFFFFFFF0]  }
0x172: {  	v55 =	vadd.s32 v15, v19  }
0x173: {  	v19 =	vadd.s32 v16, v19;
	_ =	sdelay $0x1  }
0x174: {  	s30 =	sadd.s32 $0xFFFFFFF9, s7;
	v20 =	vadd.f32 v20, v17  }
0x175: {  	v56 =	vmov s30;
	v21 =	vadd.f32 v21, v18  }
0x176: {  	[tilespmem:v55+s20+$0x0] =	vst.idx.msk $0xffff, v20;
	v20 =	vshrl.u32 v56, $0x3  }
0x177: {  	[tilespmem:v19+s20+$0x0] =	vst.idx.msk $0xffff, v21;
	v19 =	vshll.u32 v20, v1  }
0x178: {  	v20 =	vld [tilespmem:s6+$0x0];
	v19 =	vbroadcast v19, $0x0  }
0x179: {  	v21 =	vld [tilespmem:s6+$0x10]  }
0x17a: {  	v57 =	vadd.s32 v0, v19  }
0x17b: {  	v19 =	vadd.s32 v2, v19;
	_ =	sdelay $0x1  }
0x17c: {  	s14 =	sadd.s32 $0xFFFFFFFA, s7;
	v20 =	vadd.f32 v20, v17  }
0x17d: {  	v58 =	vmov s14;
	v21 =	vadd.f32 v21, v18  }
0x17e: {  	[tilespmem:v57+s20+$0x0] =	vst.idx.msk $0xffff, v20;
	v20 =	vshrl.u32 v58, $0x3  }
0x17f: {  	[tilespmem:v19+s20+$0x0] =	vst.idx.msk $0xffff, v21;
	v19 =	vshll.u32 v20, v1  }
0x180: {  	v20 =	vld [tilespmem:s6+$0x20];
	v19 =	vbroadcast v19, $0x0  }
0x181: {  	v21 =	vld [tilespmem:s6+$0x30]  }
0x182: {  	v59 =	vadd.s32 v3, v19  }
0x183: {  	v19 =	vadd.s32 v4, v19;
	_ =	sdelay $0x1  }
0x184: {  	s17 =	sadd.s32 $0xFFFFFFFB, s7;
	v20 =	vadd.f32 v20, v17  }
0x185: {  	v60 =	vmov s17;
	v21 =	vadd.f32 v21, v18  }
0x186: {  	[tilespmem:v59+s20+$0x0] =	vst.idx.msk $0xffff, v20;
	v20 =	vshrl.u32 v60, $0x3  }
0x187: {  	[tilespmem:v19+s20+$0x0] =	vst.idx.msk $0xffff, v21;
	v19 =	vshll.u32 v20, v1  }
0x188: {  	v20 =	vld [tilespmem:s6+$0x40];
	v19 =	vbroadcast v19, $0x0  }
0x189: {  	v21 =	vld [tilespmem:s6+$0x50]  }
0x18a: {  	v61 =	vadd.s32 v5, v19  }
0x18b: {  	v19 =	vadd.s32 v6, v19;
	_ =	sdelay $0x1  }
0x18c: {  	s30 =	sadd.s32 $0xFFFFFFFC, s7;
	v20 =	vadd.f32 v20, v17  }
0x18d: {  	v62 =	vmov s30;
	v21 =	vadd.f32 v21, v18  }
0x18e: {  	[tilespmem:v61+s20+$0x0] =	vst.idx.msk $0xffff, v20;
	v20 =	vshrl.u32 v62, $0x3  }
0x18f: {  	[tilespmem:v19+s20+$0x0] =	vst.idx.msk $0xffff, v21;
	v19 =	vshll.u32 v20, v1  }
0x190: {  	v20 =	vld [tilespmem:s6+$0x60];
	v19 =	vbroadcast v19, $0x0  }
0x191: {  	v21 =	vld [tilespmem:s6+$0x70]  }
0x192: {  	v63 =	vadd.s32 v7, v19  }
0x193: {  	v19 =	vadd.s32 v8, v19;
	_ =	sdelay $0x1  }
0x194: {  	s14 =	sadd.s32 $0xFFFFFFFD, s7;
	v20 =	vadd.f32 v20, v17  }
0x195: {  	v24 =	vmov s14;
	v21 =	vadd.f32 v21, v18  }
0x196: {  	[tilespmem:v63+s20+$0x0] =	vst.idx.msk $0xffff, v20;
	v20 =	vshrl.u32 v24, $0x3  }
0x197: {  	[tilespmem:v19+s20+$0x0] =	vst.idx.msk $0xffff, v21;
	v19 =	vshll.u32 v20, v1  }
0x198: {  	v20 =	vld [tilespmem:s6+$0x80];
	v19 =	vbroadcast v19, $0x0  }
0x199: {  	v21 =	vld [tilespmem:s6+$0x90]  }
0x19a: {  	v25 =	vadd.s32 v9, v19  }
0x19b: {  	v19 =	vadd.s32 v10, v19;
	_ =	sdelay $0x1  }
0x19c: {  	s17 =	sadd.s32 $0xFFFFFFFE, s7;
	v20 =	vadd.f32 v20, v17  }
0x19d: {  	v26 =	vmov s17;
	v21 =	vadd.f32 v21, v18  }
0x19e: {  	[tilespmem:v25+s20+$0x0] =	vst.idx.msk $0xffff, v20;
	v20 =	vshrl.u32 v26, $0x3  }
0x19f: {  	[tilespmem:v19+s20+$0x0] =	vst.idx.msk $0xffff, v21;
	v19 =	vshll.u32 v20, v1  }
0x1a0: {  	v20 =	vld [tilespmem:s6+$0xA0];
	v19 =	vbroadcast v19, $0x0  }
0x1a1: {  	v21 =	vld [tilespmem:s6+$0xB0]  }
0x1a2: {  	v27 =	vadd.s32 v11, v19  }
0x1a3: {  	v19 =	vadd.s32 v12, v19;
	_ =	sdelay $0x1  }
0x1a4: {  	s30 =	sadd.s32 $0xFFFFFFFF, s7;
	v20 =	vadd.f32 v20, v17  }
0x1a5: {  	v28 =	vmov s30;
	v21 =	vadd.f32 v21, v18  }
0x1a6: {  	[tilespmem:v27+s20+$0x0] =	vst.idx.msk $0xffff, v20;
	v20 =	vshrl.u32 v28, $0x3  }
0x1a7: {  	[tilespmem:v19+s20+$0x0] =	vst.idx.msk $0xffff, v21;
	v19 =	vshll.u32 v20, v1  }
0x1a8: {  	v20 =	vld [tilespmem:s6+$0xC0];
	v19 =	vbroadcast v19, $0x0  }
0x1a9: {  	v21 =	vld [tilespmem:s6+$0xD0]  }
0x1aa: {  	v29 =	vadd.s32 v13, v19  }
0x1ab: {  	v19 =	vadd.s32 v14, v19;
	_ =	sdelay $0x1  }
0x1ac: {  	v20 =	vadd.f32 v20, v17  }
0x1ad: {  	v30 =	vmov s7;
	v21 =	vadd.f32 v21, v18  }
0x1ae: {  	[tilespmem:v29+s20+$0x0] =	vst.idx.msk $0xffff, v20;
	v20 =	vshrl.u32 v30, $0x3  }
0x1af: {  	[tilespmem:v19+s20+$0x0] =	vst.idx.msk $0xffff, v21;
	v19 =	vshll.u32 v20, v1  }
0x1b0: {  	v20 =	vld [tilespmem:s6+$0xE0];
	v19 =	vbroadcast v19, $0x0  }
0x1b1: {  	v21 =	vld [tilespmem:s6+$0xF0]  }
0x1b2: {  	v31 =	vadd.s32 v15, v19  }
0x1b3: {  	v19 =	vadd.s32 v16, v19;
	_ =	sdelay $0x1  }
0x1b4: {  	s7 =	sshll.u32 s1, $0x12;
	v17 =	vadd.f32 v20, v17  }
0x1b5: {  	s6 =	sor.u32 s4, s7;
	v18 =	vadd.f32 v21, v18  }
0x1b6: {  	s6 =	sshrl.u32 s6, $0x3;
	[tilespmem:v31+s20+$0x0] =	vst.idx.msk $0xffff, v17  }
0x1b7: {  	s11 =	sadd.s32 s2, s6;
	[tilespmem:v19+s20+$0x0] =	vst.idx.msk $0xffff, v18  }
0x1b8: {  	[hbm4b:s11+s3] =	stream.linear.scatter [tilespmem:s20], [sflag:$0x3], $0x400, $0x38;
	[tilespmem:$0xBD00] =	vst v63  }
0x1b9: {  	s14 =	sadd.s32 s6, s8  }
0x1ba: {  	[hbm4b:s14+s3] =	stream.linear.scatter [tilespmem:s21], [sflag:$0x3], $0x400, $0x38;
	[tilespmem:$0xBD00] =	vst v63  }
0x1bb: {  	s17 =	sadd.s32 s6, s9  }
0x1bc: {  	[hbm4b:s17+s3] =	stream.linear.scatter [tilespmem:s22], [sflag:$0x3], $0x400, $0x38;
	[tilespmem:$0xBD00] =	vst v63  }
0x1bd: {  	p0 =	seq.s32 s1, $0x63;
	s6 =	sadd.s32 s6, s10  }
0x1be: {  	[hbm4b:s6+s3] =	stream.linear.scatter [tilespmem:s23], [sflag:$0x3], $0x400, $0x38;
	[tilespmem:$0xBD00] =	vst v63  }
0x1bf: {  	s6 =	sshll.u32 @!p0 s15, $0x7  }
0x1c0: {  	p1 =	seq.s32 @!p0 s1, $0x0;
	s6 =	sadd.s32 @!p0 $0x100, s6  }
0x1c1: {  	s7 =	simm.s32 @!p0 $0x80;
	s11 =	simm.s32 @!p0 $0x7D00;
	s6 =	sand.u32 @!p0 $0xFF00, s6  }
0x1c2: {  	[tilespmem:s11], [sflag:$0x1] =	stream.indirect.gather @!p0 [hbm4b:s5+s7], $0x20, s6, s7, $0xb8;
	[tilespmem:$0xBD00] =	vst v63  }
0x1c3: {  	p0 =	por p0, !p1  }
0x1c4: {  	_ =	swait.ge @p0 [sflag:s31], $0x400  }
0x1c5: {  	[sflag:s31] =	ssyncset.done @p0 $0x0  }
0x1c6: {  	[sflag:s31] =	ssyncadd.s32 @p0 $0xFFFFFC00  }
0x1c7: {  	_ =	swait.ge @p0 [sflag:s31], $0x400  }
0x1c8: {  	[sflag:s31] =	ssyncset.done @p0 $0x0  }
0x1c9: {  	[sflag:s31] =	ssyncadd.s32 @p0 $0xFFFFFC00  }
0x1ca: {  	_ =	swait.ge @p0 [sflag:s31], $0x400  }
0x1cb: {  	[sflag:s31] =	ssyncset.done @p0 $0x0  }
0x1cc: {  	[sflag:s31] =	ssyncadd.s32 @p0 $0xFFFFFC00  }
0x1cd: {  	_ =	swait.ge @p0 [sflag:s31], $0x400  }
0x1ce: {  	[sflag:s31] =	ssyncset.done @p0 $0x0  }
0x1cf: {  	[sflag:s31] =	ssyncadd.s32 @p0 $0xFFFFFC00  }
0x1d0: {  	_ =	swait.ge [sflag:s24], $0x1000  }
0x1d1: {  	s30 =	simm.s32 $0x0;
	[sflag:s24] =	ssyncset.done $0x0  }
0x1d2: {  	v17 =	vmov s30;
	s6 =	simm.s32 $0x8E00;
	[sflag:s24] =	ssyncadd.s32 $0xFFFFF000  }
0x1d3: {  	v17 =	vshrl.u32 v17, $0x3;
	v19 =	vld [tilespmem:s6+$0xFFFFFF10]  }
0x1d4: {  	s13 =	sshrl.u32 s13, $0x2;
	v17 =	vshll.u32 v17, v1;
	v20 =	vld [tilespmem:s6+$0xFFFFFF00]  }
0x1d5: {  	v32 =	vbroadcast v17, $0x0;
	v18 =	vld [tilespmem:s13+$0x6400]  }
0x1d6: {  	v17 =	vld [tilespmem:s13+$0x6410]  }
0x1d7: {  	v33 =	vor.u32 v0, v32  }
0x1d8: {  	v21 =	vor.u32 v2, v32;
	_ =	sdelay $0x1  }
0x1d9: {  	s11 =	simm.s32 $0x1;
	v20 =	vadd.f32 v20, v18  }
0x1da: {  	v34 =	vmov s11;
	v19 =	vadd.f32 v19, v17  }
0x1db: {  	[tilespmem:v33+s25+$0x0] =	vst.idx.msk $0xffff, v20;
	v20 =	vshrl.u32 v34, $0x3  }
0x1dc: {  	[tilespmem:v21+s25+$0x0] =	vst.idx.msk $0xffff, v19;
	v19 =	vshll.u32 v20, v1  }
0x1dd: {  	v20 =	vld [tilespmem:s6+$0xFFFFFF20];
	v19 =	vbroadcast v19, $0x0  }
0x1de: {  	v21 =	vld [tilespmem:s6+$0xFFFFFF30]  }
0x1df: {  	v35 =	vadd.s32 v3, v19  }
0x1e0: {  	v19 =	vadd.s32 v4, v19;
	_ =	sdelay $0x1  }
0x1e1: {  	s14 =	simm.s32 $0x2;
	v20 =	vadd.f32 v20, v18  }
0x1e2: {  	v36 =	vmov s14;
	v21 =	vadd.f32 v21, v17  }
0x1e3: {  	[tilespmem:v35+s25+$0x0] =	vst.idx.msk $0xffff, v20;
	v20 =	vshrl.u32 v36, $0x3  }
0x1e4: {  	[tilespmem:v19+s25+$0x0] =	vst.idx.msk $0xffff, v21;
	v19 =	vshll.u32 v20, v1  }
0x1e5: {  	v20 =	vld [tilespmem:s6+$0xFFFFFF40];
	v19 =	vbroadcast v19, $0x0  }
0x1e6: {  	v21 =	vld [tilespmem:s6+$0xFFFFFF50]  }
0x1e7: {  	v37 =	vadd.s32 v5, v19  }
0x1e8: {  	v19 =	vadd.s32 v6, v19;
	_ =	sdelay $0x1  }
0x1e9: {  	s15 =	simm.s32 $0x3;
	v20 =	vadd.f32 v20, v18  }
0x1ea: {  	v38 =	vmov s15;
	v21 =	vadd.f32 v21, v17  }
0x1eb: {  	[tilespmem:v37+s25+$0x0] =	vst.idx.msk $0xffff, v20;
	v20 =	vshrl.u32 v38, $0x3  }
0x1ec: {  	[tilespmem:v19+s25+$0x0] =	vst.idx.msk $0xffff, v21;
	v19 =	vshll.u32 v20, v1  }
0x1ed: {  	v20 =	vld [tilespmem:s6+$0xFFFFFF60];
	v19 =	vbroadcast v19, $0x0  }
0x1ee: {  	v21 =	vld [tilespmem:s6+$0xFFFFFF70]  }
0x1ef: {  	v39 =	vadd.s32 v7, v19  }
0x1f0: {  	v19 =	vadd.s32 v8, v19;
	_ =	sdelay $0x1  }
0x1f1: {  	s17 =	simm.s32 $0x4;
	v20 =	vadd.f32 v20, v18  }
0x1f2: {  	v40 =	vmov s17;
	v21 =	vadd.f32 v21, v17  }
0x1f3: {  	[tilespmem:v39+s25+$0x0] =	vst.idx.msk $0xffff, v20;
	v20 =	vshrl.u32 v40, $0x3  }
0x1f4: {  	[tilespmem:v19+s25+$0x0] =	vst.idx.msk $0xffff, v21;
	v19 =	vshll.u32 v20, v1  }
0x1f5: {  	v20 =	vld [tilespmem:s6+$0xFFFFFF80];
	v19 =	vbroadcast v19, $0x0  }
0x1f6: {  	v21 =	vld [tilespmem:s6+$0xFFFFFF90]  }
0x1f7: {  	v41 =	vadd.s32 v9, v19  }
0x1f8: {  	v19 =	vadd.s32 v10, v19;
	_ =	sdelay $0x1  }
0x1f9: {  	s30 =	simm.s32 $0x5;
	v20 =	vadd.f32 v20, v18  }
0x1fa: {  	v42 =	vmov s30;
	v21 =	vadd.f32 v21, v17  }
0x1fb: {  	[tilespmem:v41+s25+$0x0] =	vst.idx.msk $0xffff, v20;
	v20 =	vshrl.u32 v42, $0x3  }
0x1fc: {  	[tilespmem:v19+s25+$0x0] =	vst.idx.msk $0xffff, v21;
	v19 =	vshll.u32 v20, v1  }
0x1fd: {  	v20 =	vld [tilespmem:s6+$0xFFFFFFA0];
	v19 =	vbroadcast v19, $0x0  }
0x1fe: {  	v21 =	vld [tilespmem:s6+$0xFFFFFFB0]  }
0x1ff: {  	v43 =	vadd.s32 v11, v19  }
0x200: {  	v19 =	vadd.s32 v12, v19;
	_ =	sdelay $0x1  }
0x201: {  	s11 =	simm.s32 $0x6;
	v20 =	vadd.f32 v20, v18  }
0x202: {  	v44 =	vmov s11;
	v21 =	vadd.f32 v21, v17  }
0x203: {  	[tilespmem:v43+s25+$0x0] =	vst.idx.msk $0xffff, v20;
	v20 =	vshrl.u32 v44, $0x3  }
0x204: {  	[tilespmem:v19+s25+$0x0] =	vst.idx.msk $0xffff, v21;
	v19 =	vshll.u32 v20, v1  }
0x205: {  	v20 =	vld [tilespmem:s6+$0xFFFFFFC0];
	v19 =	vbroadcast v19, $0x0  }
0x206: {  	v21 =	vld [tilespmem:s6+$0xFFFFFFD0]  }
0x207: {  	v45 =	vadd.s32 v13, v19  }
0x208: {  	v19 =	vadd.s32 v14, v19;
	_ =	sdelay $0x1  }
0x209: {  	s14 =	simm.s32 $0x7;
	v20 =	vadd.f32 v20, v18  }
0x20a: {  	v46 =	vmov s14;
	v21 =	vadd.f32 v21, v17  }
0x20b: {  	[tilespmem:v45+s25+$0x0] =	vst.idx.msk $0xffff, v20;
	v20 =	vshrl.u32 v46, $0x3  }
0x20c: {  	[tilespmem:v19+s25+$0x0] =	vst.idx.msk $0xffff, v21;
	v19 =	vshll.u32 v20, v1  }
0x20d: {  	v20 =	vld [tilespmem:s6+$0xFFFFFFE0];
	v19 =	vbroadcast v19, $0x0  }
0x20e: {  	v21 =	vld [tilespmem:s6+$0xFFFFFFF0]  }
0x20f: {  	v47 =	vadd.s32 v15, v19  }
0x210: {  	v19 =	vadd.s32 v16, v19;
	_ =	sdelay $0x1  }
0x211: {  	s15 =	simm.s32 $0x8;
	v20 =	vadd.f32 v20, v18  }
0x212: {  	v48 =	vmov s15;
	v21 =	vadd.f32 v21, v17  }
0x213: {  	[tilespmem:v47+s25+$0x0] =	vst.idx.msk $0xffff, v20;
	v20 =	vshrl.u32 v48, $0x3  }
0x214: {  	[tilespmem:v19+s25+$0x0] =	vst.idx.msk $0xffff, v21;
	v19 =	vshll.u32 v20, v1  }
0x215: {  	v20 =	vld [tilespmem:s6+$0x0];
	v19 =	vbroadcast v19, $0x0  }
0x216: {  	v21 =	vld [tilespmem:s6+$0x10]  }
0x217: {  	v49 =	vadd.s32 v0, v19  }
0x218: {  	v19 =	vadd.s32 v2, v19;
	_ =	sdelay $0x1  }
0x219: {  	s17 =	simm.s32 $0x9;
	v20 =	vadd.f32 v20, v18  }
0x21a: {  	v50 =	vmov s17;
	v21 =	vadd.f32 v21, v17  }
0x21b: {  	[tilespmem:v49+s25+$0x0] =	vst.idx.msk $0xffff, v20;
	v20 =	vshrl.u32 v50, $0x3  }
0x21c: {  	[tilespmem:v19+s25+$0x0] =	vst.idx.msk $0xffff, v21;
	v19 =	vshll.u32 v20, v1  }
0x21d: {  	v20 =	vld [tilespmem:s6+$0x20];
	v19 =	vbroadcast v19, $0x0  }
0x21e: {  	v21 =	vld [tilespmem:s6+$0x30]  }
0x21f: {  	v51 =	vadd.s32 v3, v19  }
0x220: {  	v19 =	vadd.s32 v4, v19;
	_ =	sdelay $0x1  }
0x221: {  	s30 =	simm.s32 $0xA;
	v20 =	vadd.f32 v20, v18  }
0x222: {  	v52 =	vmov s30;
	v21 =	vadd.f32 v21, v17  }
0x223: {  	[tilespmem:v51+s25+$0x0] =	vst.idx.msk $0xffff, v20;
	v20 =	vshrl.u32 v52, $0x3  }
0x224: {  	[tilespmem:v19+s25+$0x0] =	vst.idx.msk $0xffff, v21;
	v19 =	vshll.u32 v20, v1  }
0x225: {  	v20 =	vld [tilespmem:s6+$0x40];
	v19 =	vbroadcast v19, $0x0  }
0x226: {  	v21 =	vld [tilespmem:s6+$0x50]  }
0x227: {  	v53 =	vadd.s32 v5, v19  }
0x228: {  	v19 =	vadd.s32 v6, v19;
	_ =	sdelay $0x1  }
0x229: {  	s11 =	simm.s32 $0xB;
	v20 =	vadd.f32 v20, v18  }
0x22a: {  	v54 =	vmov s11;
	v21 =	vadd.f32 v21, v17  }
0x22b: {  	[tilespmem:v53+s25+$0x0] =	vst.idx.msk $0xffff, v20;
	v20 =	vshrl.u32 v54, $0x3  }
0x22c: {  	[tilespmem:v19+s25+$0x0] =	vst.idx.msk $0xffff, v21;
	v19 =	vshll.u32 v20, v1  }
0x22d: {  	v20 =	vld [tilespmem:s6+$0x60];
	v19 =	vbroadcast v19, $0x0  }
0x22e: {  	v21 =	vld [tilespmem:s6+$0x70]  }
0x22f: {  	v55 =	vadd.s32 v7, v19  }
0x230: {  	v19 =	vadd.s32 v8, v19;
	_ =	sdelay $0x1  }
0x231: {  	s14 =	simm.s32 $0xC;
	v20 =	vadd.f32 v20, v18  }
0x232: {  	v56 =	vmov s14;
	v21 =	vadd.f32 v21, v17  }
0x233: {  	[tilespmem:v55+s25+$0x0] =	vst.idx.msk $0xffff, v20;
	v20 =	vshrl.u32 v56, $0x3  }
0x234: {  	[tilespmem:v19+s25+$0x0] =	vst.idx.msk $0xffff, v21;
	v19 =	vshll.u32 v20, v1  }
0x235: {  	v20 =	vld [tilespmem:s6+$0x80];
	v19 =	vbroadcast v19, $0x0  }
0x236: {  	v21 =	vld [tilespmem:s6+$0x90]  }
0x237: {  	v57 =	vadd.s32 v9, v19  }
0x238: {  	v19 =	vadd.s32 v10, v19;
	_ =	sdelay $0x1  }
0x239: {  	s15 =	simm.s32 $0xD;
	v20 =	vadd.f32 v20, v18  }
0x23a: {  	v58 =	vmov s15;
	v21 =	vadd.f32 v21, v17  }
0x23b: {  	[tilespmem:v57+s25+$0x0] =	vst.idx.msk $0xffff, v20;
	v20 =	vshrl.u32 v58, $0x3  }
0x23c: {  	[tilespmem:v19+s25+$0x0] =	vst.idx.msk $0xffff, v21;
	v19 =	vshll.u32 v20, v1  }
0x23d: {  	v20 =	vld [tilespmem:s6+$0xA0];
	v19 =	vbroadcast v19, $0x0  }
0x23e: {  	v21 =	vld [tilespmem:s6+$0xB0]  }
0x23f: {  	v59 =	vadd.s32 v11, v19  }
0x240: {  	v19 =	vadd.s32 v12, v19;
	_ =	sdelay $0x1  }
0x241: {  	s17 =	simm.s32 $0xE;
	v20 =	vadd.f32 v20, v18  }
0x242: {  	v60 =	vmov s17;
	v21 =	vadd.f32 v21, v17  }
0x243: {  	[tilespmem:v59+s25+$0x0] =	vst.idx.msk $0xffff, v20;
	v20 =	vshrl.u32 v60, $0x3  }
0x244: {  	[tilespmem:v19+s25+$0x0] =	vst.idx.msk $0xffff, v21;
	v19 =	vshll.u32 v20, v1  }
0x245: {  	v20 =	vld [tilespmem:s6+$0xC0];
	v19 =	vbroadcast v19, $0x0  }
0x246: {  	v21 =	vld [tilespmem:s6+$0xD0]  }
0x247: {  	v61 =	vadd.s32 v13, v19  }
0x248: {  	v19 =	vadd.s32 v14, v19;
	_ =	sdelay $0x1  }
0x249: {  	s30 =	simm.s32 $0xF;
	v20 =	vadd.f32 v20, v18  }
0x24a: {  	v62 =	vmov s30;
	v21 =	vadd.f32 v21, v17  }
0x24b: {  	[tilespmem:v61+s25+$0x0] =	vst.idx.msk $0xffff, v20;
	v20 =	vshrl.u32 v62, $0x3  }
0x24c: {  	[tilespmem:v19+s25+$0x0] =	vst.idx.msk $0xffff, v21;
	v19 =	vshll.u32 v20, v1  }
0x24d: {  	v20 =	vld [tilespmem:s6+$0xE0];
	v19 =	vbroadcast v19, $0x0;
	_ =	sdelay $0x1  }
0x24e: {  	v21 =	vld [tilespmem:s6+$0xF0];
	v63 =	vadd.s32 v15, v19;
	_ =	sdelay $0x1  }
0x24f: {  	v19 =	vadd.s32 v16, v19  }
0x250: {  	v18 =	vadd.f32 v20, v18;
	_ =	sdelay $0x1  }
0x251: {  	s14 =	simm.s32 $0x10;
	s7 =	simm.s32 $0x1F;
	s11 =	simm.s32 $0x2F;
	v17 =	vadd.f32 v21, v17;
	[tilespmem:v63+s25+$0x0] =	vst.idx.msk $0xffff, v18  }
.LBB2_5:
0x252: {  	p0 =	sne.s32 s11, $0x7F  }
0x253: {  	v18 =	vmov s14;
	[tilespmem:v19+s25+$0x0] =	vst.idx.msk $0xffff, v17;
	s6 =	sadd.s32 $0x200, s6;
	s14 =	smov.u32 s11;
	s11 =	sadd.s32 $0x10, s11  }
0x254: {  	v19 =	vld [tilespmem:s6+$0xFFFFFF10];
	v17 =	vshrl.u32 v18, $0x3  }
0x255: {  	v20 =	vld [tilespmem:s6+$0xFFFFFF00];
	v18 =	vshll.u32 v17, v1  }
0x256: {  	v17 =	vld [tilespmem:s13+$0x6400];
	v21 =	vbroadcast v18, $0x0  }
0x257: {  	v18 =	vld [tilespmem:s13+$0x6410]  }
0x258: {  	v22 =	vor.u32 v0, v21  }
0x259: {  	v21 =	vor.u32 v2, v21;
	_ =	sdelay $0x1  }
0x25a: {  	s15 =	sadd.s32 $0xFFFFFFF2, s7;
	v20 =	vadd.f32 v20, v17  }
0x25b: {  	v23 =	vmov s15;
	v19 =	vadd.f32 v19, v18  }
0x25c: {  	[tilespmem:v22+s25+$0x0] =	vst.idx.msk $0xffff, v20;
	v20 =	vshrl.u32 v23, $0x3  }
0x25d: {  	[tilespmem:v21+s25+$0x0] =	vst.idx.msk $0xffff, v19;
	v19 =	vshll.u32 v20, v1  }
0x25e: {  	v20 =	vld [tilespmem:s6+$0xFFFFFF20];
	v19 =	vbroadcast v19, $0x0  }
0x25f: {  	v21 =	vld [tilespmem:s6+$0xFFFFFF30]  }
0x260: {  	v22 =	vadd.s32 v3, v19  }
0x261: {  	v19 =	vadd.s32 v4, v19;
	_ =	sdelay $0x1  }
0x262: {  	s15 =	sadd.s32 $0xFFFFFFF3, s7;
	v20 =	vadd.f32 v20, v17  }
0x263: {  	v23 =	vmov s15;
	v21 =	vadd.f32 v21, v18  }
0x264: {  	[tilespmem:v22+s25+$0x0] =	vst.idx.msk $0xffff, v20;
	v20 =	vshrl.u32 v23, $0x3  }
0x265: {  	[tilespmem:v19+s25+$0x0] =	vst.idx.msk $0xffff, v21;
	v19 =	vshll.u32 v20, v1  }
0x266: {  	v20 =	vld [tilespmem:s6+$0xFFFFFF40];
	v19 =	vbroadcast v19, $0x0  }
0x267: {  	v21 =	vld [tilespmem:s6+$0xFFFFFF50]  }
0x268: {  	v22 =	vadd.s32 v5, v19  }
0x269: {  	v19 =	vadd.s32 v6, v19;
	_ =	sdelay $0x1  }
0x26a: {  	s15 =	sadd.s32 $0xFFFFFFF4, s7;
	v20 =	vadd.f32 v20, v17  }
0x26b: {  	v23 =	vmov s15;
	v21 =	vadd.f32 v21, v18  }
0x26c: {  	[tilespmem:v22+s25+$0x0] =	vst.idx.msk $0xffff, v20;
	v20 =	vshrl.u32 v23, $0x3  }
0x26d: {  	[tilespmem:v19+s25+$0x0] =	vst.idx.msk $0xffff, v21;
	v19 =	vshll.u32 v20, v1  }
0x26e: {  	v20 =	vld [tilespmem:s6+$0xFFFFFF60];
	v19 =	vbroadcast v19, $0x0  }
0x26f: {  	v21 =	vld [tilespmem:s6+$0xFFFFFF70]  }
0x270: {  	v22 =	vadd.s32 v7, v19  }
0x271: {  	v19 =	vadd.s32 v8, v19;
	_ =	sdelay $0x1  }
0x272: {  	s15 =	sadd.s32 $0xFFFFFFF5, s7;
	v20 =	vadd.f32 v20, v17  }
0x273: {  	v23 =	vmov s15;
	v21 =	vadd.f32 v21, v18  }
0x274: {  	[tilespmem:v22+s25+$0x0] =	vst.idx.msk $0xffff, v20;
	v20 =	vshrl.u32 v23, $0x3  }
0x275: {  	[tilespmem:v19+s25+$0x0] =	vst.idx.msk $0xffff, v21;
	v19 =	vshll.u32 v20, v1  }
0x276: {  	v20 =	vld [tilespmem:s6+$0xFFFFFF80];
	v19 =	vbroadcast v19, $0x0  }
0x277: {  	v21 =	vld [tilespmem:s6+$0xFFFFFF90]  }
0x278: {  	v22 =	vadd.s32 v9, v19  }
0x279: {  	v19 =	vadd.s32 v10, v19;
	_ =	sdelay $0x1  }
0x27a: {  	s15 =	sadd.s32 $0xFFFFFFF6, s7;
	v20 =	vadd.f32 v20, v17  }
0x27b: {  	v23 =	vmov s15;
	v21 =	vadd.f32 v21, v18  }
0x27c: {  	[tilespmem:v22+s25+$0x0] =	vst.idx.msk $0xffff, v20;
	v20 =	vshrl.u32 v23, $0x3  }
0x27d: {  	[tilespmem:v19+s25+$0x0] =	vst.idx.msk $0xffff, v21;
	v19 =	vshll.u32 v20, v1  }
0x27e: {  	v20 =	vld [tilespmem:s6+$0xFFFFFFA0];
	v19 =	vbroadcast v19, $0x0  }
0x27f: {  	v21 =	vld [tilespmem:s6+$0xFFFFFFB0]  }
0x280: {  	v22 =	vadd.s32 v11, v19  }
0x281: {  	v19 =	vadd.s32 v12, v19;
	_ =	sdelay $0x1  }
0x282: {  	s15 =	sadd.s32 $0xFFFFFFF7, s7;
	v20 =	vadd.f32 v20, v17  }
0x283: {  	v23 =	vmov s15;
	v21 =	vadd.f32 v21, v18  }
0x284: {  	[tilespmem:v22+s25+$0x0] =	vst.idx.msk $0xffff, v20;
	v20 =	vshrl.u32 v23, $0x3  }
0x285: {  	[tilespmem:v19+s25+$0x0] =	vst.idx.msk $0xffff, v21;
	v19 =	vshll.u32 v20, v1  }
0x286: {  	v20 =	vld [tilespmem:s6+$0xFFFFFFC0];
	v19 =	vbroadcast v19, $0x0  }
0x287: {  	v21 =	vld [tilespmem:s6+$0xFFFFFFD0]  }
0x288: {  	v22 =	vadd.s32 v13, v19  }
0x289: {  	v19 =	vadd.s32 v14, v19;
	_ =	sdelay $0x1  }
0x28a: {  	s15 =	sadd.s32 $0xFFFFFFF8, s7;
	v20 =	vadd.f32 v20, v17  }
0x28b: {  	v23 =	vmov s15;
	v21 =	vadd.f32 v21, v18  }
0x28c: {  	[tilespmem:v22+s25+$0x0] =	vst.idx.msk $0xffff, v20;
	v20 =	vshrl.u32 v23, $0x3  }
0x28d: {  	[tilespmem:v19+s25+$0x0] =	vst.idx.msk $0xffff, v21;
	v19 =	vshll.u32 v20, v1  }
0x28e: {  	v20 =	vld [tilespmem:s6+$0xFFFFFFE0];
	v19 =	vbroadcast v19, $0x0  }
0x28f: {  	v21 =	vld [tilespmem:s6+$0xFFFFFFF0]  }
0x290: {  	v22 =	vadd.s32 v15, v19  }
0x291: {  	v19 =	vadd.s32 v16, v19;
	_ =	sdelay $0x1  }
0x292: {  	s15 =	sadd.s32 $0xFFFFFFF9, s7;
	v20 =	vadd.f32 v20, v17  }
0x293: {  	v23 =	vmov s15;
	v21 =	vadd.f32 v21, v18  }
0x294: {  	[tilespmem:v22+s25+$0x0] =	vst.idx.msk $0xffff, v20;
	v20 =	vshrl.u32 v23, $0x3  }
0x295: {  	[tilespmem:v19+s25+$0x0] =	vst.idx.msk $0xffff, v21;
	v19 =	vshll.u32 v20, v1  }
0x296: {  	v20 =	vld [tilespmem:s6+$0x0];
	v19 =	vbroadcast v19, $0x0  }
0x297: {  	v21 =	vld [tilespmem:s6+$0x10]  }
0x298: {  	v22 =	vadd.s32 v0, v19  }
0x299: {  	v19 =	vadd.s32 v2, v19;
	_ =	sdelay $0x1  }
0x29a: {  	s15 =	sadd.s32 $0xFFFFFFFA, s7;
	v20 =	vadd.f32 v20, v17  }
0x29b: {  	v23 =	vmov s15;
	v21 =	vadd.f32 v21, v18  }
0x29c: {  	[tilespmem:v22+s25+$0x0] =	vst.idx.msk $0xffff, v20;
	v20 =	vshrl.u32 v23, $0x3  }
0x29d: {  	[tilespmem:v19+s25+$0x0] =	vst.idx.msk $0xffff, v21;
	v19 =	vshll.u32 v20, v1  }
0x29e: {  	v20 =	vld [tilespmem:s6+$0x20];
	v19 =	vbroadcast v19, $0x0  }
0x29f: {  	v21 =	vld [tilespmem:s6+$0x30]  }
0x2a0: {  	v22 =	vadd.s32 v3, v19  }
0x2a1: {  	v19 =	vadd.s32 v4, v19;
	_ =	sdelay $0x1  }
0x2a2: {  	s15 =	sadd.s32 $0xFFFFFFFB, s7;
	v20 =	vadd.f32 v20, v17  }
0x2a3: {  	v23 =	vmov s15;
	v21 =	vadd.f32 v21, v18  }
0x2a4: {  	[tilespmem:v22+s25+$0x0] =	vst.idx.msk $0xffff, v20;
	v20 =	vshrl.u32 v23, $0x3  }
0x2a5: {  	[tilespmem:v19+s25+$0x0] =	vst.idx.msk $0xffff, v21;
	v19 =	vshll.u32 v20, v1  }
0x2a6: {  	v20 =	vld [tilespmem:s6+$0x40];
	v19 =	vbroadcast v19, $0x0  }
0x2a7: {  	v21 =	vld [tilespmem:s6+$0x50]  }
0x2a8: {  	v22 =	vadd.s32 v5, v19  }
0x2a9: {  	v19 =	vadd.s32 v6, v19;
	_ =	sdelay $0x1  }
0x2aa: {  	s15 =	sadd.s32 $0xFFFFFFFC, s7;
	v20 =	vadd.f32 v20, v17  }
0x2ab: {  	v23 =	vmov s15;
	v21 =	vadd.f32 v21, v18  }
0x2ac: {  	[tilespmem:v22+s25+$0x0] =	vst.idx.msk $0xffff, v20;
	v20 =	vshrl.u32 v23, $0x3  }
0x2ad: {  	[tilespmem:v19+s25+$0x0] =	vst.idx.msk $0xffff, v21;
	v19 =	vshll.u32 v20, v1  }
0x2ae: {  	v20 =	vld [tilespmem:s6+$0x60];
	v19 =	vbroadcast v19, $0x0  }
0x2af: {  	v21 =	vld [tilespmem:s6+$0x70]  }
0x2b0: {  	v22 =	vadd.s32 v7, v19  }
0x2b1: {  	v19 =	vadd.s32 v8, v19;
	_ =	sdelay $0x1  }
0x2b2: {  	s15 =	sadd.s32 $0xFFFFFFFD, s7;
	v20 =	vadd.f32 v20, v17  }
0x2b3: {  	v23 =	vmov s15;
	v21 =	vadd.f32 v21, v18  }
0x2b4: {  	[tilespmem:v22+s25+$0x0] =	vst.idx.msk $0xffff, v20;
	v20 =	vshrl.u32 v23, $0x3  }
0x2b5: {  	[tilespmem:v19+s25+$0x0] =	vst.idx.msk $0xffff, v21;
	v19 =	vshll.u32 v20, v1  }
0x2b6: {  	v20 =	vld [tilespmem:s6+$0x80];
	v19 =	vbroadcast v19, $0x0  }
0x2b7: {  	v21 =	vld [tilespmem:s6+$0x90]  }
0x2b8: {  	v22 =	vadd.s32 v9, v19  }
0x2b9: {  	v19 =	vadd.s32 v10, v19;
	_ =	sdelay $0x1  }
0x2ba: {  	s15 =	sadd.s32 $0xFFFFFFFE, s7;
	v20 =	vadd.f32 v20, v17  }
0x2bb: {  	v23 =	vmov s15;
	v21 =	vadd.f32 v21, v18  }
0x2bc: {  	[tilespmem:v22+s25+$0x0] =	vst.idx.msk $0xffff, v20;
	v20 =	vshrl.u32 v23, $0x3  }
0x2bd: {  	[tilespmem:v19+s25+$0x0] =	vst.idx.msk $0xffff, v21;
	v19 =	vshll.u32 v20, v1  }
0x2be: {  	v20 =	vld [tilespmem:s6+$0xA0];
	v19 =	vbroadcast v19, $0x0  }
0x2bf: {  	v21 =	vld [tilespmem:s6+$0xB0]  }
0x2c0: {  	v22 =	vadd.s32 v11, v19  }
0x2c1: {  	v19 =	vadd.s32 v12, v19;
	_ =	sdelay $0x1  }
0x2c2: {  	s15 =	sadd.s32 $0xFFFFFFFF, s7;
	v20 =	vadd.f32 v20, v17  }
0x2c3: {  	v23 =	vmov s15;
	v21 =	vadd.f32 v21, v18  }
0x2c4: {  	[tilespmem:v22+s25+$0x0] =	vst.idx.msk $0xffff, v20;
	v20 =	vshrl.u32 v23, $0x3  }
0x2c5: {  	[tilespmem:v19+s25+$0x0] =	vst.idx.msk $0xffff, v21;
	v19 =	vshll.u32 v20, v1  }
0x2c6: {  	v20 =	vld [tilespmem:s6+$0xC0];
	v19 =	vbroadcast v19, $0x0  }
0x2c7: {  	v21 =	vld [tilespmem:s6+$0xD0]  }
0x2c8: {  	v22 =	vadd.s32 v13, v19  }
0x2c9: {  	v19 =	vadd.s32 v14, v19;
	_ =	sdelay $0x1  }
0x2ca: {  	v20 =	vadd.f32 v20, v17  }
0x2cb: {  	v23 =	vmov s7;
	s7 =	smov.u32 s14;
	v21 =	vadd.f32 v21, v18  }
0x2cc: {  	[tilespmem:v22+s25+$0x0] =	vst.idx.msk $0xffff, v20;
	v20 =	vshrl.u32 v23, $0x3  }
0x2cd: {  	[tilespmem:v19+s25+$0x0] =	vst.idx.msk $0xffff, v21;
	v19 =	vshll.u32 v20, v1  }
0x2ce: {  	v20 =	vld [tilespmem:s6+$0xE0];
	v19 =	vbroadcast v19, $0x0  }
0x2cf: {  	v21 =	vld [tilespmem:s6+$0xF0]  }
0x2d0: {  	v22 =	vadd.s32 v15, v19  }
.Ltmp1:
0x2d1: {  	v19 =	vadd.s32 v16, v19;
	(pc) =	sbr.rel @p0 .LBB2_5-.Ltmp1, $4  }
0x2d2: {  	_ = 	snop  }
0x2d3: {  	v20 =	vadd.f32 v20, v17  }
0x2d4: {  	v17 =	vadd.f32 v21, v18  }
0x2d5: {  	s14 =	sadd.s32 $0xFFFFFFF1, s7;
	[tilespmem:v22+s25+$0x0] =	vst.idx.msk $0xffff, v20  }
0x2d6: {  	_ =	sdelay $0x3  }
0x2d7: {  	v18 =	vmov s14;
	[tilespmem:v19+s25+$0x0] =	vst.idx.msk $0xffff, v17;
	s6 =	sadd.s32 $0x200, s6  }
0x2d8: {  	v19 =	vld [tilespmem:s6+$0xFFFFFF10];
	v17 =	vshrl.u32 v18, $0x3  }
0x2d9: {  	v20 =	vld [tilespmem:s6+$0xFFFFFF00];
	v18 =	vshll.u32 v17, v1  }
0x2da: {  	v17 =	vld [tilespmem:s13+$0x6400];
	v21 =	vbroadcast v18, $0x0  }
0x2db: {  	v18 =	vld [tilespmem:s13+$0x6410]  }
0x2dc: {  	v22 =	vor.u32 v0, v21  }
0x2dd: {  	v21 =	vor.u32 v2, v21;
	_ =	sdelay $0x1  }
0x2de: {  	s11 =	sadd.s32 $0xFFFFFFF2, s7;
	v20 =	vadd.f32 v20, v17  }
0x2df: {  	v23 =	vmov s11;
	v19 =	vadd.f32 v19, v18  }
0x2e0: {  	v45 =	vshrl.u32 v23, $0x3;
	[tilespmem:v22+s25+$0x0] =	vst.idx.msk $0xffff, v20  }
0x2e1: {  	[tilespmem:v21+s25+$0x0] =	vst.idx.msk $0xffff, v19;
	v19 =	vshll.u32 v45, v1  }
0x2e2: {  	v46 =	vld [tilespmem:s6+$0xFFFFFF20];
	v19 =	vbroadcast v19, $0x0  }
0x2e3: {  	v21 =	vld [tilespmem:s6+$0xFFFFFF30]  }
0x2e4: {  	v47 =	vadd.s32 v3, v19  }
0x2e5: {  	v19 =	vadd.s32 v4, v19;
	_ =	sdelay $0x1  }
0x2e6: {  	s17 =	sadd.s32 $0xFFFFFFF3, s7;
	v20 =	vadd.f32 v46, v17  }
0x2e7: {  	v48 =	vmov s17;
	v21 =	vadd.f32 v21, v18  }
0x2e8: {  	v49 =	vshrl.u32 v48, $0x3;
	[tilespmem:v47+s25+$0x0] =	vst.idx.msk $0xffff, v20  }
0x2e9: {  	[tilespmem:v19+s25+$0x0] =	vst.idx.msk $0xffff, v21;
	v19 =	vshll.u32 v49, v1  }
0x2ea: {  	v50 =	vld [tilespmem:s6+$0xFFFFFF40];
	v19 =	vbroadcast v19, $0x0  }
0x2eb: {  	v21 =	vld [tilespmem:s6+$0xFFFFFF50]  }
0x2ec: {  	v51 =	vadd.s32 v5, v19  }
0x2ed: {  	v19 =	vadd.s32 v6, v19;
	_ =	sdelay $0x1  }
0x2ee: {  	s30 =	sadd.s32 $0xFFFFFFF4, s7;
	v20 =	vadd.f32 v50, v17  }
0x2ef: {  	v52 =	vmov s30;
	v21 =	vadd.f32 v21, v18  }
0x2f0: {  	v53 =	vshrl.u32 v52, $0x3;
	[tilespmem:v51+s25+$0x0] =	vst.idx.msk $0xffff, v20  }
0x2f1: {  	[tilespmem:v19+s25+$0x0] =	vst.idx.msk $0xffff, v21;
	v19 =	vshll.u32 v53, v1  }
0x2f2: {  	v54 =	vld [tilespmem:s6+$0xFFFFFF60];
	v19 =	vbroadcast v19, $0x0  }
0x2f3: {  	v21 =	vld [tilespmem:s6+$0xFFFFFF70]  }
0x2f4: {  	v55 =	vadd.s32 v7, v19  }
0x2f5: {  	v19 =	vadd.s32 v8, v19;
	_ =	sdelay $0x1  }
0x2f6: {  	s13 =	sadd.s32 $0xFFFFFFF5, s7;
	v20 =	vadd.f32 v54, v17  }
0x2f7: {  	v56 =	vmov s13;
	v21 =	vadd.f32 v21, v18  }
0x2f8: {  	v57 =	vshrl.u32 v56, $0x3;
	[tilespmem:v55+s25+$0x0] =	vst.idx.msk $0xffff, v20  }
0x2f9: {  	[tilespmem:v19+s25+$0x0] =	vst.idx.msk $0xffff, v21;
	v19 =	vshll.u32 v57, v1  }
0x2fa: {  	v58 =	vld [tilespmem:s6+$0xFFFFFF80];
	v19 =	vbroadcast v19, $0x0  }
0x2fb: {  	v21 =	vld [tilespmem:s6+$0xFFFFFF90]  }
0x2fc: {  	v59 =	vadd.s32 v9, v19  }
0x2fd: {  	v19 =	vadd.s32 v10, v19;
	_ =	sdelay $0x1  }
0x2fe: {  	s14 =	sadd.s32 $0xFFFFFFF6, s7;
	v20 =	vadd.f32 v58, v17  }
0x2ff: {  	v60 =	vmov s14;
	v21 =	vadd.f32 v21, v18  }
0x300: {  	v61 =	vshrl.u32 v60, $0x3;
	[tilespmem:v59+s25+$0x0] =	vst.idx.msk $0xffff, v20  }
0x301: {  	[tilespmem:v19+s25+$0x0] =	vst.idx.msk $0xffff, v21;
	v19 =	vshll.u32 v61, v1  }
0x302: {  	v62 =	vld [tilespmem:s6+$0xFFFFFFA0];
	v19 =	vbroadcast v19, $0x0  }
0x303: {  	v21 =	vld [tilespmem:s6+$0xFFFFFFB0]  }
0x304: {  	v63 =	vadd.s32 v11, v19  }
0x305: {  	v19 =	vadd.s32 v12, v19;
	_ =	sdelay $0x1  }
0x306: {  	s15 =	sadd.s32 $0xFFFFFFF7, s7;
	v20 =	vadd.f32 v62, v17  }
0x307: {  	v24 =	vmov s15;
	v21 =	vadd.f32 v21, v18  }
0x308: {  	v25 =	vshrl.u32 v24, $0x3;
	[tilespmem:v63+s25+$0x0] =	vst.idx.msk $0xffff, v20  }
0x309: {  	[tilespmem:v19+s25+$0x0] =	vst.idx.msk $0xffff, v21;
	v19 =	vshll.u32 v25, v1  }
0x30a: {  	v26 =	vld [tilespmem:s6+$0xFFFFFFC0];
	v19 =	vbroadcast v19, $0x0  }
0x30b: {  	v21 =	vld [tilespmem:s6+$0xFFFFFFD0]  }
0x30c: {  	v27 =	vadd.s32 v13, v19  }
0x30d: {  	v19 =	vadd.s32 v14, v19;
	_ =	sdelay $0x1  }
0x30e: {  	s17 =	sadd.s32 $0xFFFFFFF8, s7;
	v20 =	vadd.f32 v26, v17  }
0x30f: {  	v28 =	vmov s17;
	v21 =	vadd.f32 v21, v18  }
0x310: {  	v29 =	vshrl.u32 v28, $0x3;
	[tilespmem:v27+s25+$0x0] =	vst.idx.msk $0xffff, v20  }
0x311: {  	[tilespmem:v19+s25+$0x0] =	vst.idx.msk $0xffff, v21;
	v19 =	vshll.u32 v29, v1  }
0x312: {  	v30 =	vld [tilespmem:s6+$0xFFFFFFE0];
	v19 =	vbroadcast v19, $0x0  }
0x313: {  	v21 =	vld [tilespmem:s6+$0xFFFFFFF0]  }
0x314: {  	v31 =	vadd.s32 v15, v19  }
0x315: {  	v19 =	vadd.s32 v16, v19;
	_ =	sdelay $0x1  }
0x316: {  	s30 =	sadd.s32 $0xFFFFFFF9, s7;
	v20 =	vadd.f32 v30, v17  }
0x317: {  	v32 =	vmov s30;
	v21 =	vadd.f32 v21, v18  }
0x318: {  	v33 =	vshrl.u32 v32, $0x3;
	[tilespmem:v31+s25+$0x0] =	vst.idx.msk $0xffff, v20  }
0x319: {  	[tilespmem:v19+s25+$0x0] =	vst.idx.msk $0xffff, v21;
	v19 =	vshll.u32 v33, v1  }
0x31a: {  	v34 =	vld [tilespmem:s6+$0x0];
	v19 =	vbroadcast v19, $0x0  }
0x31b: {  	v21 =	vld [tilespmem:s6+$0x10]  }
0x31c: {  	v35 =	vadd.s32 v0, v19  }
0x31d: {  	v19 =	vadd.s32 v2, v19;
	_ =	sdelay $0x1  }
0x31e: {  	s13 =	sadd.s32 $0xFFFFFFFA, s7;
	v20 =	vadd.f32 v34, v17  }
0x31f: {  	v36 =	vmov s13;
	v21 =	vadd.f32 v21, v18  }
0x320: {  	v37 =	vshrl.u32 v36, $0x3;
	[tilespmem:v35+s25+$0x0] =	vst.idx.msk $0xffff, v20  }
0x321: {  	[tilespmem:v19+s25+$0x0] =	vst.idx.msk $0xffff, v21;
	v19 =	vshll.u32 v37, v1  }
0x322: {  	v38 =	vld [tilespmem:s6+$0x20];
	v19 =	vbroadcast v19, $0x0  }
0x323: {  	v21 =	vld [tilespmem:s6+$0x30]  }
0x324: {  	v39 =	vadd.s32 v3, v19  }
0x325: {  	v19 =	vadd.s32 v4, v19;
	_ =	sdelay $0x1  }
0x326: {  	s14 =	sadd.s32 $0xFFFFFFFB, s7;
	v20 =	vadd.f32 v38, v17  }
0x327: {  	v40 =	vmov s14;
	v21 =	vadd.f32 v21, v18  }
0x328: {  	v41 =	vshrl.u32 v40, $0x3;
	[tilespmem:v39+s25+$0x0] =	vst.idx.msk $0xffff, v20  }
0x329: {  	[tilespmem:v19+s25+$0x0] =	vst.idx.msk $0xffff, v21;
	v19 =	vshll.u32 v41, v1  }
0x32a: {  	v42 =	vld [tilespmem:s6+$0x40];
	v19 =	vbroadcast v19, $0x0  }
0x32b: {  	v21 =	vld [tilespmem:s6+$0x50]  }
0x32c: {  	v43 =	vadd.s32 v5, v19  }
0x32d: {  	v19 =	vadd.s32 v6, v19;
	_ =	sdelay $0x1  }
0x32e: {  	s15 =	sadd.s32 $0xFFFFFFFC, s7;
	v20 =	vadd.f32 v42, v17  }
0x32f: {  	v44 =	vmov s15;
	v21 =	vadd.f32 v21, v18  }
0x330: {  	v45 =	vshrl.u32 v44, $0x3;
	[tilespmem:v43+s25+$0x0] =	vst.idx.msk $0xffff, v20  }
0x331: {  	[tilespmem:v19+s25+$0x0] =	vst.idx.msk $0xffff, v21;
	v19 =	vshll.u32 v45, v1  }
0x332: {  	v46 =	vld [tilespmem:s6+$0x60];
	v19 =	vbroadcast v19, $0x0  }
0x333: {  	v21 =	vld [tilespmem:s6+$0x70]  }
0x334: {  	v47 =	vadd.s32 v7, v19  }
0x335: {  	v19 =	vadd.s32 v8, v19;
	_ =	sdelay $0x1  }
0x336: {  	s17 =	sadd.s32 $0xFFFFFFFD, s7;
	v20 =	vadd.f32 v46, v17  }
0x337: {  	v48 =	vmov s17;
	v21 =	vadd.f32 v21, v18  }
0x338: {  	v49 =	vshrl.u32 v48, $0x3;
	[tilespmem:v47+s25+$0x0] =	vst.idx.msk $0xffff, v20  }
0x339: {  	[tilespmem:v19+s25+$0x0] =	vst.idx.msk $0xffff, v21;
	v19 =	vshll.u32 v49, v1  }
0x33a: {  	v50 =	vld [tilespmem:s6+$0x80];
	v19 =	vbroadcast v19, $0x0  }
0x33b: {  	v21 =	vld [tilespmem:s6+$0x90]  }
0x33c: {  	v51 =	vadd.s32 v9, v19  }
0x33d: {  	v19 =	vadd.s32 v10, v19;
	_ =	sdelay $0x1  }
0x33e: {  	s30 =	sadd.s32 $0xFFFFFFFE, s7;
	v20 =	vadd.f32 v50, v17  }
0x33f: {  	v52 =	vmov s30;
	v21 =	vadd.f32 v21, v18  }
0x340: {  	v53 =	vshrl.u32 v52, $0x3;
	[tilespmem:v51+s25+$0x0] =	vst.idx.msk $0xffff, v20  }
0x341: {  	[tilespmem:v19+s25+$0x0] =	vst.idx.msk $0xffff, v21;
	v19 =	vshll.u32 v53, v1  }
0x342: {  	v54 =	vld [tilespmem:s6+$0xA0];
	v19 =	vbroadcast v19, $0x0  }
0x343: {  	v21 =	vld [tilespmem:s6+$0xB0]  }
0x344: {  	v55 =	vadd.s32 v11, v19  }
0x345: {  	v19 =	vadd.s32 v12, v19;
	_ =	sdelay $0x1  }
0x346: {  	s13 =	sadd.s32 $0xFFFFFFFF, s7;
	v20 =	vadd.f32 v54, v17  }
0x347: {  	v56 =	vmov s13;
	v21 =	vadd.f32 v21, v18  }
0x348: {  	v57 =	vshrl.u32 v56, $0x3;
	[tilespmem:v55+s25+$0x0] =	vst.idx.msk $0xffff, v20  }
0x349: {  	[tilespmem:v19+s25+$0x0] =	vst.idx.msk $0xffff, v21;
	v19 =	vshll.u32 v57, v1  }
0x34a: {  	v58 =	vld [tilespmem:s6+$0xC0];
	v19 =	vbroadcast v19, $0x0  }
0x34b: {  	v21 =	vld [tilespmem:s6+$0xD0]  }
0x34c: {  	v59 =	vadd.s32 v13, v19  }
0x34d: {  	v19 =	vadd.s32 v14, v19;
	_ =	sdelay $0x1  }
0x34e: {  	v20 =	vadd.f32 v58, v17  }
0x34f: {  	v60 =	vmov s7;
	v21 =	vadd.f32 v21, v18  }
0x350: {  	v61 =	vshrl.u32 v60, $0x3;
	[tilespmem:v59+s25+$0x0] =	vst.idx.msk $0xffff, v20  }
0x351: {  	[tilespmem:v19+s25+$0x0] =	vst.idx.msk $0xffff, v21;
	v19 =	vshll.u32 v61, v1  }
0x352: {  	v62 =	vld [tilespmem:s6+$0xE0];
	v19 =	vbroadcast v19, $0x0  }
0x353: {  	v21 =	vld [tilespmem:s6+$0xF0]  }
0x354: {  	v63 =	vadd.s32 v15, v19  }
0x355: {  	v19 =	vadd.s32 v16, v19;
	_ =	sdelay $0x1  }
0x356: {  	s14 =	sshll.u32 s12, $0x11;
	v17 =	vadd.f32 v62, v17  }
0x357: {  	s6 =	sor.u32 s4, s14;
	v18 =	vadd.f32 v21, v18  }
0x358: {  	s6 =	sshrl.u32 s6, $0x3;
	[tilespmem:v63+s25+$0x0] =	vst.idx.msk $0xffff, v17  }
0x359: {  	s1 =	sadd.s32 $0x1, s1;
	s15 =	sadd.s32 s2, s6;
	[tilespmem:v19+s25+$0x0] =	vst.idx.msk $0xffff, v18  }
0x35a: {  	[hbm4b:s15+s3] =	stream.linear.scatter [tilespmem:s25], [sflag:$0x4], $0x400, $0x38;
	[tilespmem:$0xBD00] =	vst v63  }
0x35b: {  	p0 =	sne.s32 s1, $0x64;
	s17 =	sadd.s32 s6, s8  }
0x35c: {  	[hbm4b:s17+s3] =	stream.linear.scatter [tilespmem:s26], [sflag:$0x4], $0x400, $0x38;
	[tilespmem:$0xBD00] =	vst v63  }
.Ltmp2:
0x35d: {  	_ = 	snop;
	(pc) =	sbr.rel @p0 .LBB2_2-.Ltmp2, $4  }
0x35e: {  	s30 =	sadd.s32 s6, s9  }
0x35f: {  	[hbm4b:s30+s3] =	stream.linear.scatter [tilespmem:s28], [sflag:$0x4], $0x400, $0x38;
	[tilespmem:$0xBD00] =	vst v63  }
0x360: {  	s6 =	sadd.s32 s6, s10  }
0x361: {  	[hbm4b:s6+s3] =	stream.linear.scatter [tilespmem:s29], [sflag:$0x4], $0x400, $0x38;
	[tilespmem:$0xBD00] =	vst v63  }
0x362: {  	s1 =	simm.s32 $0x3  }
0x363: {  	_ =	swait.ge [sflag:s1], $0x400  }
0x364: {  	[sflag:s1] =	ssyncset.done $0x0  }
0x365: {  	[sflag:s1] =	ssyncadd.s32 $0xFFFFFC00  }
0x366: {  	_ =	swait.ge [sflag:s1], $0x400  }
0x367: {  	[sflag:s1] =	ssyncset.done $0x0  }
0x368: {  	[sflag:s1] =	ssyncadd.s32 $0xFFFFFC00  }
0x369: {  	_ =	swait.ge [sflag:s1], $0x400  }
0x36a: {  	[sflag:s1] =	ssyncset.done $0x0  }
0x36b: {  	[sflag:s1] =	ssyncadd.s32 $0xFFFFFC00  }
0x36c: {  	_ =	swait.ge [sflag:s1], $0x400  }
0x36d: {  	[sflag:s1] =	ssyncset.done $0x0  }
0x36e: {  	[sflag:s1] =	ssyncadd.s32 $0xFFFFFC00  }
0x36f: {  	_ =	swait.ge [sflag:s31], $0x400  }
0x370: {  	[sflag:s31] =	ssyncset.done $0x0  }
0x371: {  	[sflag:s31] =	ssyncadd.s32 $0xFFFFFC00  }
0x372: {  	_ =	swait.ge [sflag:s31], $0x400  }
0x373: {  	[sflag:s31] =	ssyncset.done $0x0  }
0x374: {  	[sflag:s31] =	ssyncadd.s32 $0xFFFFFC00  }
0x375: {  	_ =	swait.ge [sflag:s31], $0x400  }
0x376: {  	[sflag:s31] =	ssyncset.done $0x0  }
0x377: {  	[sflag:s31] =	ssyncadd.s32 $0xFFFFFC00  }
0x378: {  	_ =	swait.ge [sflag:s31], $0x400  }
0x379: {  	s0 =	sadd.s32 $0x1, s0;
	s30 =	rddreg [dreg:$0x6]  }
0x37a: {  	p0 =	sne.s32 s0, s30  }
.Ltmp3:
0x37b: {  	_ = 	snop;
	(pc) =	sbr.rel @p0 .LBB2_1-.Ltmp3, $3  }
0x37c: {  	_ =	sdelay $0x1  }
0x37d: {  	[sflag:s31] =	ssyncset.done $0x0  }
0x37e: {  	[sflag:s31] =	ssyncadd.s32 $0xFFFFFC00  }
0x37f: {  	_ =	sfence.sel $0x180000  }
0x380: {  	[bflag:$0x0] =	sbarrier.arrive $0xFFFF  }
0x381: {  	_ =	strace $0x90000047  }
0x382: {  	s0 =	stileid.u32;
	[bflag:$0x2] =	sbarrier.arrive $0xFFFF  }
0x383: {  	p0 =	sne.s32 s0, $0x0;
	s0 =	rddreg [dreg:$0x3]  }
0x384: {  	s0 =	sadd.s32 @!p0 $0x100000, s0  }
0x385: {  	[sflag:s0] =	ssyncadd.tile.s32 @!p0 $0x1;
	_ =	shalt  }
.Lfunc_end2:
_tile_overlayer_lowered:
.L_overlay_start_2:
0x386: {  	(tag) =	ssettag $0x2  }
0x387: {  	s0 =	rddreg [dreg:$0x0];
	s2 =	stileid.u32  }
0x388: {  	s1 =	rddreg [dreg:$0x1];
	p0 =	sne.s32 s2, $0x0  }
0x389: {  	s3 =	rddreg [dreg:$0x2];
	[bflag:$0x3] =	sbarrier.arrive $0xFFFF;
	s2 =	simm.s32 @!p0 $0x1C05  }
0x38a: {  	[timem:s3], [sflag:s2] =	dma.local @!p0 [hbm:s0], s1  }
0x38b: {  	s0 =	simm.s32 @!p0 $0x5  }
0x38c: {  	_ =	swait.ge @!p0 [sflag:s0], s1  }
0x38d: {  	s1 =	ssub.s32 @!p0 $0x0, s1;
	[sflag:s0] =	ssyncset.done @!p0 $0x0  }
0x38e: {  	[sflag:s0] =	ssyncadd.s32 @!p0 s1  }
0x38f: {  	[bflag:$0x3] =	sbarrier.arrive $0xFFFF  }
0x390: {  	_ =	shalt  }

</sc_bundles>
